<compile_context>
chip_gen: v7x
topology: tpu7x:2x2x1
jax: 0.10.2.dev20260603
libtpu: 0.0.44.dev20260713+nightly
codegen_flags: <defaults>
</compile_context>

<pallas_src>
import functools

import jax
import jax.numpy as jnp
from jax import lax
from jax.experimental import pallas as pl
from jax.experimental.pallas import tpu as pltpu
from jax.experimental.pallas import tpu_sc as plsc

_N = 10000
_E = 320000
_D = 128

_K = 128
_NTILES = 32
_CH_TOTAL = _E // _K
_CH_PER_TILE = 80
_CH_LAST = _CH_TOTAL - 31 * _CH_PER_TILE
_N_ACC = 10112
_ZR = _N_ACC // 16
_OR_LAST = _N - 15 * _ZR

_mesh = plsc.VectorSubcoreMesh(core_axis_name="c", subcore_axis_name="s")


@functools.partial(
    pl.kernel,
    out_type=jax.ShapeDtypeStruct((2, _N, _D), jnp.float32),
    mesh=_mesh,
    scratch_types=[
        pltpu.VMEM((2, _K), jnp.int32),
        pltpu.VMEM((2, _K), jnp.int32),
        pltpu.VMEM((2, _K), jnp.int32),
        pltpu.VMEM((2, _K), jnp.int32),
        pltpu.VMEM((_K, _D), jnp.float32),
        pltpu.VMEM((_K, _D), jnp.float32),
        pltpu.VMEM_SHARED((_N_ACC, _D), jnp.float32),
        pltpu.SemaphoreType.DMA,
        pltpu.SemaphoreType.DMA,
        pltpu.SemaphoreType.DMA,
        pltpu.SemaphoreType.DMA,
        pltpu.SemaphoreType.DMA,
        pltpu.SemaphoreType.DMA,
    ],
)
def _sc_aggregate(x_hbm, ei_hbm, out_hbm,
                  idx_0, idx_1, idx_2, idx_3, rows_a, rows_b, acc_s,
                  sem_ga, sem_gb, sem_i0, sem_i1, sem_i2, sem_i3):
    cid = lax.axis_index("c")
    sid = lax.axis_index("s")
    wid = cid * 16 + sid

    zv = jnp.zeros((16,), jnp.float32)

    def _zrow(r, carry):
        for j in range(8):
            rows_a[r, pl.ds(j * 16, 16)] = zv
        return carry

    lax.fori_loop(0, _K, _zrow, 0)
    for i in range(_ZR // _K):
        pltpu.sync_copy(rows_a, acc_s.at[pl.ds(sid * _ZR + i * _K, _K)])
    tail = _ZR % _K
    pltpu.sync_copy(rows_a.at[pl.ds(0, tail)],
                    acc_s.at[pl.ds(sid * _ZR + _ZR - tail, tail)])
    plsc.subcore_barrier()

    t0 = wid * _CH_PER_TILE

    def _start_idx(c, ibuf, isem):
        pltpu.async_copy(ei_hbm.at[:, pl.ds((t0 + c) * _K, _K)], ibuf, isem)

    def _wait_idx(ibuf, isem):
        pltpu.make_async_copy(ei_hbm.at[:, pl.ds(0, _K)], ibuf, isem).wait()

    def _start_gather(ibuf, rbuf, gsem):
        pltpu.async_copy(x_hbm.at[ibuf.at[0]], rbuf, gsem)

    def _wait_gather(rbuf, gsem):
        pltpu.make_async_copy(x_hbm.at[pl.ds(0, _K)], rbuf, gsem).wait()

    def _scatter(ibuf, rbuf):
        pltpu.sync_copy(rbuf, acc_s.at[ibuf.at[1]], add=True)

    def _run_chunks(n):
        idx = (idx_0, idx_1, idx_2, idx_3)
        isem = (sem_i0, sem_i1, sem_i2, sem_i3)

        _start_idx(0, idx[0], isem[0])
        _start_idx(1, idx[1], isem[1])
        _wait_idx(idx[0], isem[0])
        _start_gather(idx[0], rows_a, sem_ga)
        _start_idx(2, idx[2], isem[2])
        _start_idx(3, idx[3], isem[3])

        def body(i, carry):
            c0 = 4 * i
            for k in range(4):
                c = c0 + k
                j, j1 = k, (k + 1) % 4
                mine = rows_a if k % 2 == 0 else rows_b
                other = rows_b if k % 2 == 0 else rows_a
                msem = sem_ga if k % 2 == 0 else sem_gb
                osem = sem_gb if k % 2 == 0 else sem_ga

                @pl.when(c + 1 < n)
                def _(j1=j1, other=other, osem=osem):
                    _wait_idx(idx[j1], isem[j1])
                    _start_gather(idx[j1], other, osem)

                _wait_gather(mine, msem)
                _scatter(idx[j], mine)

                @pl.when(c + 4 < n)
                def _(c=c, j=j):
                    _start_idx(c + 4, idx[j], isem[j])

            return carry

        lax.fori_loop(0, n // 4, body, 0)

    @pl.when(wid < 31)
    def _():
        _run_chunks(_CH_PER_TILE)

    @pl.when(wid == 31)
    def _():
        _run_chunks(_CH_LAST)

    plsc.subcore_barrier()

    @pl.when(sid < 15)
    def _():
        pltpu.sync_copy(acc_s.at[pl.ds(sid * _ZR, _ZR)],
                        out_hbm.at[cid, pl.ds(sid * _ZR, _ZR)])

    @pl.when(sid == 15)
    def _():
        pltpu.sync_copy(acc_s.at[pl.ds(15 * _ZR, _OR_LAST)],
                        out_hbm.at[cid, pl.ds(15 * _ZR, _OR_LAST)])


def _tc_body(p_ref, w_ref, b_ref, o_ref):
    acc = p_ref[0] + p_ref[1]
    h = lax.dot_general(acc, w_ref[...], (((1,), (1,)), ((), ())),
                        preferred_element_type=jnp.float32)
    o_ref[...] = jnp.maximum(h + b_ref[...], 0.0)


_TC_G = 2
_tc_apply = pl.pallas_call(
    _tc_body,
    grid=(_TC_G,),
    in_specs=[
        pl.BlockSpec((2, _N // _TC_G, _D), lambda i: (0, i, 0)),
        pl.BlockSpec((_D, _D), lambda i: (0, 0)),
        pl.BlockSpec((1, _D), lambda i: (0, 0)),
    ],
    out_specs=pl.BlockSpec((_N // _TC_G, _D), lambda i: (i, 0)),
    out_shape=jax.ShapeDtypeStruct((_N, _D), jnp.float32),
)


def kernel(x, edge_index, W, b):
    partials = _sc_aggregate(x, edge_index)
    return _tc_apply(partials, W, b.reshape(1, _D))

# --- scband reference (transcript-rebuilt; emitter-appended) ---
"""Pipeline reference for scband-graph-conv-layer-28991029248353 (READ-ONLY COPY).

The authoritative reference and input builder live on the scoring server;
editing this copy changes nothing except your own understanding.
"""

import jax, jax.numpy as jnp
import numpy as np

N = 10000
E = 320000
D_IN = 128
D_OUT = 128


def setup_inputs(seed: int = 0) -> dict:
    key = jax.random.key(seed)
    k1, k2, k3, k4 = jax.random.split(key, 4)
    x = jax.random.normal(k1, (N, D_IN), dtype=jnp.float32)
    edge_index = jax.random.randint(k2, (2, E), 0, N, dtype=jnp.int32)
    # Linear layer params (nn.Linear(in_feats, out_feats)): W [out, in], b [out]
    W = jax.random.normal(k3, (D_OUT, D_IN), dtype=jnp.float32) * (1.0 / np.sqrt(D_IN))
    b = jax.random.normal(k4, (D_OUT,), dtype=jnp.float32) * 0.01
    return {"x": x, "edge_index": edge_index, "W": W, "b": b}


def reference(x, edge_index, W, b):
    # gcn_msg = copy_src('h') : message = x[src]
    # gcn_reduce = sum       : h[dst] = sum of incoming messages
    src = edge_index[0]
    dst = edge_index[1]
    msgs = jnp.take(x, src, axis=0)                      # gather  [E, D_IN]
    agg = jax.ops.segment_sum(msgs, dst, num_segments=N)  # scatter-add [N, D_IN]
    # NodeApplyModule: linear + activation
    h = agg @ W.T + b
    return jax.nn.relu(h)

if __name__ == "__main__":
    import jax
    _d = setup_inputs()
    print(jax.jit(kernel)(*tuple(_d.values())))

</pallas_src>

<mosaic_0001>
#map = affine_map<(d0, d1) -> (0, 0)>
#map1 = affine_map<(d0, d1) -> (0, 0, 0)>
module attributes {stable_mosaic.version = 14 : i64} {
  func.func @_sc_aggregate(%arg0: i32, %arg1: i32, %arg2: memref<10000x128xf32, #tpu.memory_space<hbm>>, %arg3: memref<2x320000xi32, #tpu.memory_space<hbm>>, %arg4: memref<2x10000x128xf32, #tpu.memory_space<hbm>>, %arg5: memref<2x128xi32, #tpu.memory_space<vmem>>, %arg6: memref<2x128xi32, #tpu.memory_space<vmem>>, %arg7: memref<2x128xi32, #tpu.memory_space<vmem>>, %arg8: memref<2x128xi32, #tpu.memory_space<vmem>>, %arg9: memref<128x128xf32, #tpu.memory_space<vmem>>, %arg10: memref<128x128xf32, #tpu.memory_space<vmem>>, %arg11: memref<10112x128xf32, #tpu.memory_space<vmem_shared>>, %arg12: memref<!tpu.dma_semaphore, #tpu.memory_space<semaphore_mem>>, %arg13: memref<!tpu.dma_semaphore, #tpu.memory_space<semaphore_mem>>, %arg14: memref<!tpu.dma_semaphore, #tpu.memory_space<semaphore_mem>>, %arg15: memref<!tpu.dma_semaphore, #tpu.memory_space<semaphore_mem>>, %arg16: memref<!tpu.dma_semaphore, #tpu.memory_space<semaphore_mem>>, %arg17: memref<!tpu.dma_semaphore, #tpu.memory_space<semaphore_mem>>) attributes {dimension_semantics = [#tpu.dimension_semantics<core_parallel>, #tpu.dimension_semantics<subcore_parallel>], iteration_bounds = array<i64: 2, 16>, scalar_prefetch = 0 : i64, scratch_operands = 13 : i64, tpu.core_type = #tpu.core_type<sc_vector_subcore>, window_params = [{transform_indices = #map}, {transform_indices = #map}, {transform_indices = #map1}]} {
    %mul3A = arith.constant 16 : i32
    %mul3A_0 = arith.muli %arg0, %mul3A : i32
    %add3A = arith.addi %mul3A_0, %arg1 : i32
    %broadcast_in_dim3A = arith.constant 0.000000e+00 : f32
    %broadcast_in_dim3A_1 = vector.broadcast %broadcast_in_dim3A : f32 to vector<16xf32>
    %scan3A = arith.constant 0 : i32
    %scan3A_2 = arith.constant 0 : i32
    %scan3A_3 = arith.constant 128 : i32
    %scan3A_4 = arith.addi %scan3A_2, %scan3A_3 : i32
    %scan3A_5 = arith.constant 1 : i32
    scf.for %scan3A_47 = %scan3A_2 to %scan3A_4 step %scan3A_5  : i32 {
      %swap3A = arith.index_cast %scan3A_47 : i32 to index
      %swap3A_48 = arith.constant 0 : index
      %swap3A_49 = tpu.vector_load %arg9[%swap3A, %swap3A_48] {strides = array<i32>} : memref<128x128xf32, #tpu.memory_space<vmem>>, vector<1x16xf32>,
      %swap3A_50 = vector.shape_cast %swap3A_49 : vector<1x16xf32> to vector<16xf32>
      %swap3A_51 = vector.shape_cast %broadcast_in_dim3A_1 : vector<16xf32> to vector<1x16xf32>
      tpu.vector_store %arg9[%swap3A, %swap3A_48], %swap3A_51 {strides = array<i32>} : memref<128x128xf32, #tpu.memory_space<vmem>>, vector<1x16xf32>,
      %swap3A_52 = arith.index_cast %scan3A_47 : i32 to index
      %swap3A_53 = arith.constant 16 : index
      %swap3A_54 = tpu.vector_load %arg9[%swap3A_52, %swap3A_53] {strides = array<i32>} : memref<128x128xf32, #tpu.memory_space<vmem>>, vector<1x16xf32>,
      %swap3A_55 = vector.shape_cast %swap3A_54 : vector<1x16xf32> to vector<16xf32>
      %swap3A_56 = vector.shape_cast %broadcast_in_dim3A_1 : vector<16xf32> to vector<1x16xf32>
      tpu.vector_store %arg9[%swap3A_52, %swap3A_53], %swap3A_56 {strides = array<i32>} : memref<128x128xf32, #tpu.memory_space<vmem>>, vector<1x16xf32>,
      %swap3A_57 = arith.index_cast %scan3A_47 : i32 to index
      %swap3A_58 = arith.constant 32 : index
      %swap3A_59 = tpu.vector_load %arg9[%swap3A_57, %swap3A_58] {strides = array<i32>} : memref<128x128xf32, #tpu.memory_space<vmem>>, vector<1x16xf32>,
      %swap3A_60 = vector.shape_cast %swap3A_59 : vector<1x16xf32> to vector<16xf32>
      %swap3A_61 = vector.shape_cast %broadcast_in_dim3A_1 : vector<16xf32> to vector<1x16xf32>
      tpu.vector_store %arg9[%swap3A_57, %swap3A_58], %swap3A_61 {strides = array<i32>} : memref<128x128xf32, #tpu.memory_space<vmem>>, vector<1x16xf32>,
      %swap3A_62 = arith.index_cast %scan3A_47 : i32 to index
      %swap3A_63 = arith.constant 48 : index
      %swap3A_64 = tpu.vector_load %arg9[%swap3A_62, %swap3A_63] {strides = array<i32>} : memref<128x128xf32, #tpu.memory_space<vmem>>, vector<1x16xf32>,
      %swap3A_65 = vector.shape_cast %swap3A_64 : vector<1x16xf32> to vector<16xf32>
      %swap3A_66 = vector.shape_cast %broadcast_in_dim3A_1 : vector<16xf32> to vector<1x16xf32>
      tpu.vector_store %arg9[%swap3A_62, %swap3A_63], %swap3A_66 {strides = array<i32>} : memref<128x128xf32, #tpu.memory_space<vmem>>, vector<1x16xf32>,
      %swap3A_67 = arith.index_cast %scan3A_47 : i32 to index
      %swap3A_68 = arith.constant 64 : index
      %swap3A_69 = tpu.vector_load %arg9[%swap3A_67, %swap3A_68] {strides = array<i32>} : memref<128x128xf32, #tpu.memory_space<vmem>>, vector<1x16xf32>,
      %swap3A_70 = vector.shape_cast %swap3A_69 : vector<1x16xf32> to vector<16xf32>
      %swap3A_71 = vector.shape_cast %broadcast_in_dim3A_1 : vector<16xf32> to vector<1x16xf32>
      tpu.vector_store %arg9[%swap3A_67, %swap3A_68], %swap3A_71 {strides = array<i32>} : memref<128x128xf32, #tpu.memory_space<vmem>>, vector<1x16xf32>,
      %swap3A_72 = arith.index_cast %scan3A_47 : i32 to index
      %swap3A_73 = arith.constant 80 : index
      %swap3A_74 = tpu.vector_load %arg9[%swap3A_72, %swap3A_73] {strides = array<i32>} : memref<128x128xf32, #tpu.memory_space<vmem>>, vector<1x16xf32>,
      %swap3A_75 = vector.shape_cast %swap3A_74 : vector<1x16xf32> to vector<16xf32>
      %swap3A_76 = vector.shape_cast %broadcast_in_dim3A_1 : vector<16xf32> to vector<1x16xf32>
      tpu.vector_store %arg9[%swap3A_72, %swap3A_73], %swap3A_76 {strides = array<i32>} : memref<128x128xf32, #tpu.memory_space<vmem>>, vector<1x16xf32>,
      %swap3A_77 = arith.index_cast %scan3A_47 : i32 to index
      %swap3A_78 = arith.constant 96 : index
      %swap3A_79 = tpu.vector_load %arg9[%swap3A_77, %swap3A_78] {strides = array<i32>} : memref<128x128xf32, #tpu.memory_space<vmem>>, vector<1x16xf32>,
      %swap3A_80 = vector.shape_cast %swap3A_79 : vector<1x16xf32> to vector<16xf32>
      %swap3A_81 = vector.shape_cast %broadcast_in_dim3A_1 : vector<16xf32> to vector<1x16xf32>
      tpu.vector_store %arg9[%swap3A_77, %swap3A_78], %swap3A_81 {strides = array<i32>} : memref<128x128xf32, #tpu.memory_space<vmem>>, vector<1x16xf32>,
      %swap3A_82 = arith.index_cast %scan3A_47 : i32 to index
      %swap3A_83 = arith.constant 112 : index
      %swap3A_84 = tpu.vector_load %arg9[%swap3A_82, %swap3A_83] {strides = array<i32>} : memref<128x128xf32, #tpu.memory_space<vmem>>, vector<1x16xf32>,
      %swap3A_85 = vector.shape_cast %swap3A_84 : vector<1x16xf32> to vector<16xf32>
      %swap3A_86 = vector.shape_cast %broadcast_in_dim3A_1 : vector<16xf32> to vector<1x16xf32>
      tpu.vector_store %arg9[%swap3A_82, %swap3A_83], %swap3A_86 {strides = array<i32>} : memref<128x128xf32, #tpu.memory_space<vmem>>, vector<1x16xf32>,
    }
    %scan3A_6 = arith.constant 128 : i32
    %mul3A_7 = arith.constant 632 : i32
    %mul3A_8 = arith.muli %arg1, %mul3A_7 : i32
    %add3A_9 = arith.constant 0 : i32
    %add3A_10 = arith.addi %mul3A_8, %add3A_9 : i32
    "tpu.region"() ({
      %run_scoped3A = tpu.sem_alloc : memref<!tpu.dma_semaphore, #tpu.memory_space<semaphore_mem>>
      %dma_start3A = arith.constant 0 : i32
      %dma_start3A_47 = tpu.memref_slice %arg11[%add3A_10, %dma_start3A] : memref<10112x128xf32, #tpu.memory_space<vmem_shared>> -> memref<128x128xf32, #tpu.memory_space<vmem_shared>>
      %dma_start3A_48 = arith.constant 0 : i32
      %dma_start3A_49 = tpu.memref_slice %arg11[%add3A_10, %dma_start3A_48] : memref<10112x128xf32, #tpu.memory_space<vmem_shared>> -> memref<128x128xf32, #tpu.memory_space<vmem_shared>>
      tpu.enqueue_dma source(%arg9 : memref<128x128xf32, #tpu.memory_space<vmem>>) target(%dma_start3A_49 : memref<128x128xf32, #tpu.memory_space<vmem_shared>>) target_semaphore(%run_scoped3A : memref<!tpu.dma_semaphore, #tpu.memory_space<semaphore_mem>>)
      %dma_wait3A = arith.constant 0 : i32
      %dma_wait3A_50 = tpu.memref_slice %arg11[%add3A_10, %dma_wait3A] : memref<10112x128xf32, #tpu.memory_space<vmem_shared>> -> memref<128x128xf32, #tpu.memory_space<vmem_shared>>
      %dma_wait3A_51 = arith.constant 0 : i32
      %dma_wait3A_52 = tpu.memref_slice %arg11[%add3A_10, %dma_wait3A_51] : memref<10112x128xf32, #tpu.memory_space<vmem_shared>> -> memref<128x128xf32, #tpu.memory_space<vmem_shared>>
      tpu.wait_dma2 semaphore(%run_scoped3A : memref<!tpu.dma_semaphore, #tpu.memory_space<semaphore_mem>>) src(%arg9 : memref<128x128xf32, #tpu.memory_space<vmem>>) dst(%dma_wait3A_52 : memref<128x128xf32, #tpu.memory_space<vmem_shared>>)
      tpu.yield
    }) : () -> ()
    %mul3A_11 = arith.constant 632 : i32
    %mul3A_12 = arith.muli %arg1, %mul3A_11 : i32
    %add3A_13 = arith.constant 128 : i32
    %add3A_14 = arith.addi %mul3A_12, %add3A_13 : i32
    "tpu.region"() ({
      %run_scoped3A = tpu.sem_alloc : memref<!tpu.dma_semaphore, #tpu.memory_space<semaphore_mem>>
      %dma_start3A = arith.constant 0 : i32
      %dma_start3A_47 = tpu.memref_slice %arg11[%add3A_14, %dma_start3A] : memref<10112x128xf32, #tpu.memory_space<vmem_shared>> -> memref<128x128xf32, #tpu.memory_space<vmem_shared>>
      %dma_start3A_48 = arith.constant 0 : i32
      %dma_start3A_49 = tpu.memref_slice %arg11[%add3A_14, %dma_start3A_48] : memref<10112x128xf32, #tpu.memory_space<vmem_shared>> -> memref<128x128xf32, #tpu.memory_space<vmem_shared>>
      tpu.enqueue_dma source(%arg9 : memref<128x128xf32, #tpu.memory_space<vmem>>) target(%dma_start3A_49 : memref<128x128xf32, #tpu.memory_space<vmem_shared>>) target_semaphore(%run_scoped3A : memref<!tpu.dma_semaphore, #tpu.memory_space<semaphore_mem>>)
      %dma_wait3A = arith.constant 0 : i32
      %dma_wait3A_50 = tpu.memref_slice %arg11[%add3A_14, %dma_wait3A] : memref<10112x128xf32, #tpu.memory_space<vmem_shared>> -> memref<128x128xf32, #tpu.memory_space<vmem_shared>>
      %dma_wait3A_51 = arith.constant 0 : i32
      %dma_wait3A_52 = tpu.memref_slice %arg11[%add3A_14, %dma_wait3A_51] : memref<10112x128xf32, #tpu.memory_space<vmem_shared>> -> memref<128x128xf32, #tpu.memory_space<vmem_shared>>
      tpu.wait_dma2 semaphore(%run_scoped3A : memref<!tpu.dma_semaphore, #tpu.memory_space<semaphore_mem>>) src(%arg9 : memref<128x128xf32, #tpu.memory_space<vmem>>) dst(%dma_wait3A_52 : memref<128x128xf32, #tpu.memory_space<vmem_shared>>)
      tpu.yield
    }) : () -> ()
    %mul3A_15 = arith.constant 632 : i32
    %mul3A_16 = arith.muli %arg1, %mul3A_15 : i32
    %add3A_17 = arith.constant 256 : i32
    %add3A_18 = arith.addi %mul3A_16, %add3A_17 : i32
    "tpu.region"() ({
      %run_scoped3A = tpu.sem_alloc : memref<!tpu.dma_semaphore, #tpu.memory_space<semaphore_mem>>
      %dma_start3A = arith.constant 0 : i32
      %dma_start3A_47 = tpu.memref_slice %arg11[%add3A_18, %dma_start3A] : memref<10112x128xf32, #tpu.memory_space<vmem_shared>> -> memref<128x128xf32, #tpu.memory_space<vmem_shared>>
      %dma_start3A_48 = arith.constant 0 : i32
      %dma_start3A_49 = tpu.memref_slice %arg11[%add3A_18, %dma_start3A_48] : memref<10112x128xf32, #tpu.memory_space<vmem_shared>> -> memref<128x128xf32, #tpu.memory_space<vmem_shared>>
      tpu.enqueue_dma source(%arg9 : memref<128x128xf32, #tpu.memory_space<vmem>>) target(%dma_start3A_49 : memref<128x128xf32, #tpu.memory_space<vmem_shared>>) target_semaphore(%run_scoped3A : memref<!tpu.dma_semaphore, #tpu.memory_space<semaphore_mem>>)
      %dma_wait3A = arith.constant 0 : i32
      %dma_wait3A_50 = tpu.memref_slice %arg11[%add3A_18, %dma_wait3A] : memref<10112x128xf32, #tpu.memory_space<vmem_shared>> -> memref<128x128xf32, #tpu.memory_space<vmem_shared>>
      %dma_wait3A_51 = arith.constant 0 : i32
      %dma_wait3A_52 = tpu.memref_slice %arg11[%add3A_18, %dma_wait3A_51] : memref<10112x128xf32, #tpu.memory_space<vmem_shared>> -> memref<128x128xf32, #tpu.memory_space<vmem_shared>>
      tpu.wait_dma2 semaphore(%run_scoped3A : memref<!tpu.dma_semaphore, #tpu.memory_space<semaphore_mem>>) src(%arg9 : memref<128x128xf32, #tpu.memory_space<vmem>>) dst(%dma_wait3A_52 : memref<128x128xf32, #tpu.memory_space<vmem_shared>>)
      tpu.yield
    }) : () -> ()
    %mul3A_19 = arith.constant 632 : i32
    %mul3A_20 = arith.muli %arg1, %mul3A_19 : i32
    %add3A_21 = arith.constant 384 : i32
    %add3A_22 = arith.addi %mul3A_20, %add3A_21 : i32
    "tpu.region"() ({
      %run_scoped3A = tpu.sem_alloc : memref<!tpu.dma_semaphore, #tpu.memory_space<semaphore_mem>>
      %dma_start3A = arith.constant 0 : i32
      %dma_start3A_47 = tpu.memref_slice %arg11[%add3A_22, %dma_start3A] : memref<10112x128xf32, #tpu.memory_space<vmem_shared>> -> memref<128x128xf32, #tpu.memory_space<vmem_shared>>
      %dma_start3A_48 = arith.constant 0 : i32
      %dma_start3A_49 = tpu.memref_slice %arg11[%add3A_22, %dma_start3A_48] : memref<10112x128xf32, #tpu.memory_space<vmem_shared>> -> memref<128x128xf32, #tpu.memory_space<vmem_shared>>
      tpu.enqueue_dma source(%arg9 : memref<128x128xf32, #tpu.memory_space<vmem>>) target(%dma_start3A_49 : memref<128x128xf32, #tpu.memory_space<vmem_shared>>) target_semaphore(%run_scoped3A : memref<!tpu.dma_semaphore, #tpu.memory_space<semaphore_mem>>)
      %dma_wait3A = arith.constant 0 : i32
      %dma_wait3A_50 = tpu.memref_slice %arg11[%add3A_22, %dma_wait3A] : memref<10112x128xf32, #tpu.memory_space<vmem_shared>> -> memref<128x128xf32, #tpu.memory_space<vmem_shared>>
      %dma_wait3A_51 = arith.constant 0 : i32
      %dma_wait3A_52 = tpu.memref_slice %arg11[%add3A_22, %dma_wait3A_51] : memref<10112x128xf32, #tpu.memory_space<vmem_shared>> -> memref<128x128xf32, #tpu.memory_space<vmem_shared>>
      tpu.wait_dma2 semaphore(%run_scoped3A : memref<!tpu.dma_semaphore, #tpu.memory_space<semaphore_mem>>) src(%arg9 : memref<128x128xf32, #tpu.memory_space<vmem>>) dst(%dma_wait3A_52 : memref<128x128xf32, #tpu.memory_space<vmem_shared>>)
      tpu.yield
    }) : () -> ()
    %mul3A_23 = arith.constant 632 : i32
    %mul3A_24 = arith.muli %arg1, %mul3A_23 : i32
    %add3A_25 = arith.constant 632 : i32
    %add3A_26 = arith.addi %mul3A_24, %add3A_25 : i32
    %sub3A = arith.constant 120 : i32
    %sub3A_27 = arith.subi %add3A_26, %sub3A : i32
    "tpu.region"() ({
      %run_scoped3A = tpu.sem_alloc : memref<!tpu.dma_semaphore, #tpu.memory_space<semaphore_mem>>
      %dma_start3A = arith.constant 0 : i32
      %dma_start3A_47 = arith.constant 0 : i32
      %dma_start3A_48 = tpu.memref_slice %arg9[%dma_start3A, %dma_start3A_47] : memref<128x128xf32, #tpu.memory_space<vmem>> -> memref<120x128xf32, #tpu.memory_space<vmem>>
      %dma_start3A_49 = arith.constant 0 : i32
      %dma_start3A_50 = tpu.memref_slice %arg11[%sub3A_27, %dma_start3A_49] : memref<10112x128xf32, #tpu.memory_space<vmem_shared>> -> memref<120x128xf32, #tpu.memory_space<vmem_shared>>
      %dma_start3A_51 = arith.constant 0 : i32
      %dma_start3A_52 = tpu.memref_slice %arg11[%sub3A_27, %dma_start3A_51] : memref<10112x128xf32, #tpu.memory_space<vmem_shared>> -> memref<120x128xf32, #tpu.memory_space<vmem_shared>>
      %dma_start3A_53 = arith.constant 0 : i32
      %dma_start3A_54 = arith.constant 0 : i32
      %dma_start3A_55 = tpu.memref_slice %arg9[%dma_start3A_53, %dma_start3A_54] : memref<128x128xf32, #tpu.memory_space<vmem>> -> memref<120x128xf32, #tpu.memory_space<vmem>>
      tpu.enqueue_dma source(%dma_start3A_55 : memref<120x128xf32, #tpu.memory_space<vmem>>) target(%dma_start3A_52 : memref<120x128xf32, #tpu.memory_space<vmem_shared>>) target_semaphore(%run_scoped3A : memref<!tpu.dma_semaphore, #tpu.memory_space<semaphore_mem>>)
      %dma_wait3A = arith.constant 0 : i32
      %dma_wait3A_56 = arith.constant 0 : i32
      %dma_wait3A_57 = tpu.memref_slice %arg9[%dma_wait3A, %dma_wait3A_56] : memref<128x128xf32, #tpu.memory_space<vmem>> -> memref<120x128xf32, #tpu.memory_space<vmem>>
      %dma_wait3A_58 = arith.constant 0 : i32
      %dma_wait3A_59 = tpu.memref_slice %arg11[%sub3A_27, %dma_wait3A_58] : memref<10112x128xf32, #tpu.memory_space<vmem_shared>> -> memref<120x128xf32, #tpu.memory_space<vmem_shared>>
      %dma_wait3A_60 = arith.constant 0 : i32
      %dma_wait3A_61 = tpu.memref_slice %arg11[%sub3A_27, %dma_wait3A_60] : memref<10112x128xf32, #tpu.memory_space<vmem_shared>> -> memref<120x128xf32, #tpu.memory_space<vmem_shared>>
      %dma_wait3A_62 = arith.constant 0 : i32
      %dma_wait3A_63 = arith.constant 0 : i32
      %dma_wait3A_64 = tpu.memref_slice %arg9[%dma_wait3A_62, %dma_wait3A_63] : memref<128x128xf32, #tpu.memory_space<vmem>> -> memref<120x128xf32, #tpu.memory_space<vmem>>
      tpu.wait_dma2 semaphore(%run_scoped3A : memref<!tpu.dma_semaphore, #tpu.memory_space<semaphore_mem>>) src(%dma_wait3A_64 : memref<120x128xf32, #tpu.memory_space<vmem>>) dst(%dma_wait3A_61 : memref<120x128xf32, #tpu.memory_space<vmem_shared>>)
      tpu.yield
    }) : () -> ()
    %barrier3A = arith.constant 0 : index
    tpu.barrier barrier_id(%barrier3A)
    %mul3A_28 = arith.constant 80 : i32
    %mul3A_29 = arith.muli %add3A, %mul3A_28 : i32
    %lt3A = arith.constant 31 : i32
    %lt3A_30 = arith.cmpi slt, %add3A, %lt3A : i32
    %convert_element_type3A = arith.extui %lt3A_30 : i1 to i32
    %cond3A = arith.constant 0 : i32
    %cond3A_31 = arith.cmpi ne, %convert_element_type3A, %cond3A : i32
    scf.if %cond3A_31 {
      %add3A_47 = arith.constant 0 : i32
      %add3A_48 = arith.addi %mul3A_29, %add3A_47 : i32
      %mul3A_49 = arith.constant 128 : i32
      %mul3A_50 = arith.muli %add3A_48, %mul3A_49 : i32
      %dma_start3A = arith.constant 0 : i32
      %dma_start3A_51 = tpu.memref_slice %arg3[%dma_start3A, %mul3A_50] : memref<2x320000xi32, #tpu.memory_space<hbm>> -> memref<2x128xi32, #tpu.memory_space<hbm>>
      %dma_start3A_52 = arith.constant 0 : i32
      %dma_start3A_53 = tpu.memref_slice %arg3[%dma_start3A_52, %mul3A_50] : memref<2x320000xi32, #tpu.memory_space<hbm>> -> memref<2x128xi32, #tpu.memory_space<hbm>>
      tpu.enqueue_dma source(%dma_start3A_53 : memref<2x128xi32, #tpu.memory_space<hbm>>) target(%arg5 : memref<2x128xi32, #tpu.memory_space<vmem>>) target_semaphore(%arg14 : memref<!tpu.dma_semaphore, #tpu.memory_space<semaphore_mem>>)
      %add3A_54 = arith.constant 1 : i32
      %add3A_55 = arith.addi %mul3A_29, %add3A_54 : i32
      %mul3A_56 = arith.constant 128 : i32
      %mul3A_57 = arith.muli %add3A_55, %mul3A_56 : i32
      %dma_start3A_58 = arith.constant 0 : i32
      %dma_start3A_59 = tpu.memref_slice %arg3[%dma_start3A_58, %mul3A_57] : memref<2x320000xi32, #tpu.memory_space<hbm>> -> memref<2x128xi32, #tpu.memory_space<hbm>>
      %dma_start3A_60 = arith.constant 0 : i32
      %dma_start3A_61 = tpu.memref_slice %arg3[%dma_start3A_60, %mul3A_57] : memref<2x320000xi32, #tpu.memory_space<hbm>> -> memref<2x128xi32, #tpu.memory_space<hbm>>
      tpu.enqueue_dma source(%dma_start3A_61 : memref<2x128xi32, #tpu.memory_space<hbm>>) target(%arg6 : memref<2x128xi32, #tpu.memory_space<vmem>>) target_semaphore(%arg15 : memref<!tpu.dma_semaphore, #tpu.memory_space<semaphore_mem>>)
      %dma_wait3A = arith.constant 0 : i32
      %dma_wait3A_62 = arith.constant 0 : i32
      %dma_wait3A_63 = tpu.memref_slice %arg3[%dma_wait3A, %dma_wait3A_62] : memref<2x320000xi32, #tpu.memory_space<hbm>> -> memref<2x128xi32, #tpu.memory_space<hbm>>
      %dma_wait3A_64 = arith.constant 0 : i32
      %dma_wait3A_65 = arith.constant 0 : i32
      %dma_wait3A_66 = tpu.memref_slice %arg3[%dma_wait3A_64, %dma_wait3A_65] : memref<2x320000xi32, #tpu.memory_space<hbm>> -> memref<2x128xi32, #tpu.memory_space<hbm>>
      tpu.wait_dma2 semaphore(%arg14 : memref<!tpu.dma_semaphore, #tpu.memory_space<semaphore_mem>>) src(%dma_wait3A_66 : memref<2x128xi32, #tpu.memory_space<hbm>>) dst(%arg5 : memref<2x128xi32, #tpu.memory_space<vmem>>)
      %dma_start3A_67 = arith.constant 0 : i32
      %dma_start3A_68 = arith.constant 0 : i32
      %dma_start3A_69 = tpu.memref_slice %arg5[%dma_start3A_67, %dma_start3A_68] : memref<2x128xi32, #tpu.memory_space<vmem>> -> memref<1x128xi32, #tpu.memory_space<vmem>>
      %dma_start3A_70 = tpu.memref_squeeze %dma_start3A_69 : memref<1x128xi32, #tpu.memory_space<vmem>> -> memref<128xi32, #tpu.memory_space<vmem>>
      %dma_start3A_71 = arith.constant 0 : i32
      %dma_start3A_72 = arith.constant 0 : i32
      %dma_start3A_73 = tpu.memref_slice %arg2[%dma_start3A_71, %dma_start3A_72] : memref<10000x128xf32, #tpu.memory_space<hbm>> -> memref<10000x128xf32, #tpu.memory_space<hbm>>
      tpu.enqueue_indirect_dma source(%dma_start3A_73 : memref<10000x128xf32, #tpu.memory_space<hbm>>) target(%arg9 : memref<128x128xf32, #tpu.memory_space<vmem>>) offsets(%dma_start3A_70 : memref<128xi32, #tpu.memory_space<vmem>>) semaphore(%arg12 : memref<!tpu.dma_semaphore, #tpu.memory_space<semaphore_mem>>)
      %add3A_74 = arith.constant 2 : i32
      %add3A_75 = arith.addi %mul3A_29, %add3A_74 : i32
      %mul3A_76 = arith.constant 128 : i32
      %mul3A_77 = arith.muli %add3A_75, %mul3A_76 : i32
      %dma_start3A_78 = arith.constant 0 : i32
      %dma_start3A_79 = tpu.memref_slice %arg3[%dma_start3A_78, %mul3A_77] : memref<2x320000xi32, #tpu.memory_space<hbm>> -> memref<2x128xi32, #tpu.memory_space<hbm>>
      %dma_start3A_80 = arith.constant 0 : i32
      %dma_start3A_81 = tpu.memref_slice %arg3[%dma_start3A_80, %mul3A_77] : memref<2x320000xi32, #tpu.memory_space<hbm>> -> memref<2x128xi32, #tpu.memory_space<hbm>>
      tpu.enqueue_dma source(%dma_start3A_81 : memref<2x128xi32, #tpu.memory_space<hbm>>) target(%arg7 : memref<2x128xi32, #tpu.memory_space<vmem>>) target_semaphore(%arg16 : memref<!tpu.dma_semaphore, #tpu.memory_space<semaphore_mem>>)
      %add3A_82 = arith.constant 3 : i32
      %add3A_83 = arith.addi %mul3A_29, %add3A_82 : i32
      %mul3A_84 = arith.constant 128 : i32
      %mul3A_85 = arith.muli %add3A_83, %mul3A_84 : i32
      %dma_start3A_86 = arith.constant 0 : i32
      %dma_start3A_87 = tpu.memref_slice %arg3[%dma_start3A_86, %mul3A_85] : memref<2x320000xi32, #tpu.memory_space<hbm>> -> memref<2x128xi32, #tpu.memory_space<hbm>>
      %dma_start3A_88 = arith.constant 0 : i32
      %dma_start3A_89 = tpu.memref_slice %arg3[%dma_start3A_88, %mul3A_85] : memref<2x320000xi32, #tpu.memory_space<hbm>> -> memref<2x128xi32, #tpu.memory_space<hbm>>
      tpu.enqueue_dma source(%dma_start3A_89 : memref<2x128xi32, #tpu.memory_space<hbm>>) target(%arg8 : memref<2x128xi32, #tpu.memory_space<vmem>>) target_semaphore(%arg17 : memref<!tpu.dma_semaphore, #tpu.memory_space<semaphore_mem>>)
      %scan3A_90 = arith.constant 0 : i32
      %scan3A_91 = arith.constant 0 : i32
      %scan3A_92 = arith.constant 20 : i32
      %scan3A_93 = arith.addi %scan3A_91, %scan3A_92 : i32
      %scan3A_94 = arith.constant 1 : i32
      scf.for %scan3A_96 = %scan3A_91 to %scan3A_93 step %scan3A_94  : i32 {
        %mul3A_97 = arith.constant 4 : i32
        %mul3A_98 = arith.muli %mul3A_97, %scan3A_96 : i32
        %add3A_99 = arith.constant 0 : i32
        %add3A_100 = arith.addi %mul3A_98, %add3A_99 : i32
        %add3A_101 = arith.constant 1 : i32
        %add3A_102 = arith.addi %add3A_100, %add3A_101 : i32
        %lt3A_103 = arith.constant 80 : i32
        %lt3A_104 = arith.cmpi slt, %add3A_102, %lt3A_103 : i32
        %convert_element_type3A_105 = arith.extui %lt3A_104 : i1 to i32
        %cond3A_106 = arith.constant 0 : i32
        %cond3A_107 = arith.cmpi ne, %convert_element_type3A_105, %cond3A_106 : i32
        scf.if %cond3A_107 {
          %dma_wait3A_190 = arith.constant 0 : i32
          %dma_wait3A_191 = arith.constant 0 : i32
          %dma_wait3A_192 = tpu.memref_slice %arg3[%dma_wait3A_190, %dma_wait3A_191] : memref<2x320000xi32, #tpu.memory_space<hbm>> -> memref<2x128xi32, #tpu.memory_space<hbm>>
          %dma_wait3A_193 = arith.constant 0 : i32
          %dma_wait3A_194 = arith.constant 0 : i32
          %dma_wait3A_195 = tpu.memref_slice %arg3[%dma_wait3A_193, %dma_wait3A_194] : memref<2x320000xi32, #tpu.memory_space<hbm>> -> memref<2x128xi32, #tpu.memory_space<hbm>>
          tpu.wait_dma2 semaphore(%arg15 : memref<!tpu.dma_semaphore, #tpu.memory_space<semaphore_mem>>) src(%dma_wait3A_195 : memref<2x128xi32, #tpu.memory_space<hbm>>) dst(%arg6 : memref<2x128xi32, #tpu.memory_space<vmem>>)
          %dma_start3A_196 = arith.constant 0 : i32
          %dma_start3A_197 = arith.constant 0 : i32
          %dma_start3A_198 = tpu.memref_slice %arg6[%dma_start3A_196, %dma_start3A_197] : memref<2x128xi32, #tpu.memory_space<vmem>> -> memref<1x128xi32, #tpu.memory_space<vmem>>
          %dma_start3A_199 = tpu.memref_squeeze %dma_start3A_198 : memref<1x128xi32, #tpu.memory_space<vmem>> -> memref<128xi32, #tpu.memory_space<vmem>>
          %dma_start3A_200 = arith.constant 0 : i32
          %dma_start3A_201 = arith.constant 0 : i32
          %dma_start3A_202 = tpu.memref_slice %arg2[%dma_start3A_200, %dma_start3A_201] : memref<10000x128xf32, #tpu.memory_space<hbm>> -> memref<10000x128xf32, #tpu.memory_space<hbm>>
          tpu.enqueue_indirect_dma source(%dma_start3A_202 : memref<10000x128xf32, #tpu.memory_space<hbm>>) target(%arg10 : memref<128x128xf32, #tpu.memory_space<vmem>>) offsets(%dma_start3A_199 : memref<128xi32, #tpu.memory_space<vmem>>) semaphore(%arg13 : memref<!tpu.dma_semaphore, #tpu.memory_space<semaphore_mem>>)
        } else {
        }
        %dma_wait3A_108 = arith.constant 0 : i32
        %dma_wait3A_109 = arith.constant 0 : i32
        %dma_wait3A_110 = tpu.memref_slice %arg2[%dma_wait3A_108, %dma_wait3A_109] : memref<10000x128xf32, #tpu.memory_space<hbm>> -> memref<128x128xf32, #tpu.memory_space<hbm>>
        %dma_wait3A_111 = arith.constant 0 : i32
        %dma_wait3A_112 = arith.constant 0 : i32
        %dma_wait3A_113 = tpu.memref_slice %arg2[%dma_wait3A_111, %dma_wait3A_112] : memref<10000x128xf32, #tpu.memory_space<hbm>> -> memref<128x128xf32, #tpu.memory_space<hbm>>
        tpu.wait_dma2 semaphore(%arg12 : memref<!tpu.dma_semaphore, #tpu.memory_space<semaphore_mem>>) src(%dma_wait3A_113 : memref<128x128xf32, #tpu.memory_space<hbm>>) dst(%arg9 : memref<128x128xf32, #tpu.memory_space<vmem>>)
        %run_scoped3A = arith.constant 1 : i32
        "tpu.region"() ({
          %run_scoped3A_190 = tpu.sem_alloc : memref<!tpu.dma_semaphore, #tpu.memory_space<semaphore_mem>>
          %dma_start3A_191 = arith.constant 0 : i32
          %dma_start3A_192 = tpu.memref_slice %arg5[%run_scoped3A, %dma_start3A_191] : memref<2x128xi32, #tpu.memory_space<vmem>> -> memref<1x128xi32, #tpu.memory_space<vmem>>
          %dma_start3A_193 = tpu.memref_squeeze %dma_start3A_192 : memref<1x128xi32, #tpu.memory_space<vmem>> -> memref<128xi32, #tpu.memory_space<vmem>>
          %dma_start3A_194 = arith.constant 0 : i32
          %dma_start3A_195 = arith.constant 0 : i32
          %dma_start3A_196 = tpu.memref_slice %arg11[%dma_start3A_194, %dma_start3A_195] : memref<10112x128xf32, #tpu.memory_space<vmem_shared>> -> memref<10112x128xf32, #tpu.memory_space<vmem_shared>>
          tpu.enqueue_indirect_dma source(%arg9 : memref<128x128xf32, #tpu.memory_space<vmem>>) target(%dma_start3A_196 : memref<10112x128xf32, #tpu.memory_space<vmem_shared>>) offsets(%dma_start3A_193 : memref<128xi32, #tpu.memory_space<vmem>>) semaphore(%run_scoped3A_190 : memref<!tpu.dma_semaphore, #tpu.memory_space<semaphore_mem>>) {add = true}
          %dma_wait3A_197 = arith.constant 0 : i32
          %dma_wait3A_198 = tpu.memref_slice %arg5[%run_scoped3A, %dma_wait3A_197] : memref<2x128xi32, #tpu.memory_space<vmem>> -> memref<1x128xi32, #tpu.memory_space<vmem>>
          %dma_wait3A_199 = tpu.memref_squeeze %dma_wait3A_198 : memref<1x128xi32, #tpu.memory_space<vmem>> -> memref<128xi32, #tpu.memory_space<vmem>>
          %dma_wait3A_200 = arith.constant 0 : i32
          %dma_wait3A_201 = arith.constant 0 : i32
          %dma_wait3A_202 = tpu.memref_slice %arg11[%dma_wait3A_200, %dma_wait3A_201] : memref<10112x128xf32, #tpu.memory_space<vmem_shared>> -> memref<10112x128xf32, #tpu.memory_space<vmem_shared>>
          tpu.wait_indirect_dma semaphore(%run_scoped3A_190 : memref<!tpu.dma_semaphore, #tpu.memory_space<semaphore_mem>>) src(%arg9 : memref<128x128xf32, #tpu.memory_space<vmem>>) dst(%dma_wait3A_202 : memref<10112x128xf32, #tpu.memory_space<vmem_shared>>)
          tpu.yield
        }) : () -> ()
        %add3A_114 = arith.constant 4 : i32
        %add3A_115 = arith.addi %add3A_100, %add3A_114 : i32
        %lt3A_116 = arith.constant 80 : i32
        %lt3A_117 = arith.cmpi slt, %add3A_115, %lt3A_116 : i32
        %convert_element_type3A_118 = arith.extui %lt3A_117 : i1 to i32
        %cond3A_119 = arith.constant 0 : i32
        %cond3A_120 = arith.cmpi ne, %convert_element_type3A_118, %cond3A_119 : i32
        scf.if %cond3A_120 {
          %add3A_190 = arith.constant 4 : i32
          %add3A_191 = arith.addi %add3A_100, %add3A_190 : i32
          %add3A_192 = arith.addi %mul3A_29, %add3A_191 : i32
          %mul3A_193 = arith.constant 128 : i32
          %mul3A_194 = arith.muli %add3A_192, %mul3A_193 : i32
          %dma_start3A_195 = arith.constant 0 : i32
          %dma_start3A_196 = tpu.memref_slice %arg3[%dma_start3A_195, %mul3A_194] : memref<2x320000xi32, #tpu.memory_space<hbm>> -> memref<2x128xi32, #tpu.memory_space<hbm>>
          %dma_start3A_197 = arith.constant 0 : i32
          %dma_start3A_198 = tpu.memref_slice %arg3[%dma_start3A_197, %mul3A_194] : memref<2x320000xi32, #tpu.memory_space<hbm>> -> memref<2x128xi32, #tpu.memory_space<hbm>>
          tpu.enqueue_dma source(%dma_start3A_198 : memref<2x128xi32, #tpu.memory_space<hbm>>) target(%arg5 : memref<2x128xi32, #tpu.memory_space<vmem>>) target_semaphore(%arg14 : memref<!tpu.dma_semaphore, #tpu.memory_space<semaphore_mem>>)
        } else {
        }
        %add3A_121 = arith.constant 1 : i32
        %add3A_122 = arith.addi %mul3A_98, %add3A_121 : i32
        %add3A_123 = arith.constant 1 : i32
        %add3A_124 = arith.addi %add3A_122, %add3A_123 : i32
        %lt3A_125 = arith.constant 80 : i32
        %lt3A_126 = arith.cmpi slt, %add3A_124, %lt3A_125 : i32
        %convert_element_type3A_127 = arith.extui %lt3A_126 : i1 to i32
        %cond3A_128 = arith.constant 0 : i32
        %cond3A_129 = arith.cmpi ne, %convert_element_type3A_127, %cond3A_128 : i32
        scf.if %cond3A_129 {
          %dma_wait3A_190 = arith.constant 0 : i32
          %dma_wait3A_191 = arith.constant 0 : i32
          %dma_wait3A_192 = tpu.memref_slice %arg3[%dma_wait3A_190, %dma_wait3A_191] : memref<2x320000xi32, #tpu.memory_space<hbm>> -> memref<2x128xi32, #tpu.memory_space<hbm>>
          %dma_wait3A_193 = arith.constant 0 : i32
          %dma_wait3A_194 = arith.constant 0 : i32
          %dma_wait3A_195 = tpu.memref_slice %arg3[%dma_wait3A_193, %dma_wait3A_194] : memref<2x320000xi32, #tpu.memory_space<hbm>> -> memref<2x128xi32, #tpu.memory_space<hbm>>
          tpu.wait_dma2 semaphore(%arg16 : memref<!tpu.dma_semaphore, #tpu.memory_space<semaphore_mem>>) src(%dma_wait3A_195 : memref<2x128xi32, #tpu.memory_space<hbm>>) dst(%arg7 : memref<2x128xi32, #tpu.memory_space<vmem>>)
          %dma_start3A_196 = arith.constant 0 : i32
          %dma_start3A_197 = arith.constant 0 : i32
          %dma_start3A_198 = tpu.memref_slice %arg7[%dma_start3A_196, %dma_start3A_197] : memref<2x128xi32, #tpu.memory_space<vmem>> -> memref<1x128xi32, #tpu.memory_space<vmem>>
          %dma_start3A_199 = tpu.memref_squeeze %dma_start3A_198 : memref<1x128xi32, #tpu.memory_space<vmem>> -> memref<128xi32, #tpu.memory_space<vmem>>
          %dma_start3A_200 = arith.constant 0 : i32
          %dma_start3A_201 = arith.constant 0 : i32
          %dma_start3A_202 = tpu.memref_slice %arg2[%dma_start3A_200, %dma_start3A_201] : memref<10000x128xf32, #tpu.memory_space<hbm>> -> memref<10000x128xf32, #tpu.memory_space<hbm>>
          tpu.enqueue_indirect_dma source(%dma_start3A_202 : memref<10000x128xf32, #tpu.memory_space<hbm>>) target(%arg9 : memref<128x128xf32, #tpu.memory_space<vmem>>) offsets(%dma_start3A_199 : memref<128xi32, #tpu.memory_space<vmem>>) semaphore(%arg12 : memref<!tpu.dma_semaphore, #tpu.memory_space<semaphore_mem>>)
        } else {
        }
        %dma_wait3A_130 = arith.constant 0 : i32
        %dma_wait3A_131 = arith.constant 0 : i32
        %dma_wait3A_132 = tpu.memref_slice %arg2[%dma_wait3A_130, %dma_wait3A_131] : memref<10000x128xf32, #tpu.memory_space<hbm>> -> memref<128x128xf32, #tpu.memory_space<hbm>>
        %dma_wait3A_133 = arith.constant 0 : i32
        %dma_wait3A_134 = arith.constant 0 : i32
        %dma_wait3A_135 = tpu.memref_slice %arg2[%dma_wait3A_133, %dma_wait3A_134] : memref<10000x128xf32, #tpu.memory_space<hbm>> -> memref<128x128xf32, #tpu.memory_space<hbm>>
        tpu.wait_dma2 semaphore(%arg13 : memref<!tpu.dma_semaphore, #tpu.memory_space<semaphore_mem>>) src(%dma_wait3A_135 : memref<128x128xf32, #tpu.memory_space<hbm>>) dst(%arg10 : memref<128x128xf32, #tpu.memory_space<vmem>>)
        %run_scoped3A_136 = arith.constant 1 : i32
        "tpu.region"() ({
          %run_scoped3A_190 = tpu.sem_alloc : memref<!tpu.dma_semaphore, #tpu.memory_space<semaphore_mem>>
          %dma_start3A_191 = arith.constant 0 : i32
          %dma_start3A_192 = tpu.memref_slice %arg6[%run_scoped3A_136, %dma_start3A_191] : memref<2x128xi32, #tpu.memory_space<vmem>> -> memref<1x128xi32, #tpu.memory_space<vmem>>
          %dma_start3A_193 = tpu.memref_squeeze %dma_start3A_192 : memref<1x128xi32, #tpu.memory_space<vmem>> -> memref<128xi32, #tpu.memory_space<vmem>>
          %dma_start3A_194 = arith.constant 0 : i32
          %dma_start3A_195 = arith.constant 0 : i32
          %dma_start3A_196 = tpu.memref_slice %arg11[%dma_start3A_194, %dma_start3A_195] : memref<10112x128xf32, #tpu.memory_space<vmem_shared>> -> memref<10112x128xf32, #tpu.memory_space<vmem_shared>>
          tpu.enqueue_indirect_dma source(%arg10 : memref<128x128xf32, #tpu.memory_space<vmem>>) target(%dma_start3A_196 : memref<10112x128xf32, #tpu.memory_space<vmem_shared>>) offsets(%dma_start3A_193 : memref<128xi32, #tpu.memory_space<vmem>>) semaphore(%run_scoped3A_190 : memref<!tpu.dma_semaphore, #tpu.memory_space<semaphore_mem>>) {add = true}
          %dma_wait3A_197 = arith.constant 0 : i32
          %dma_wait3A_198 = tpu.memref_slice %arg6[%run_scoped3A_136, %dma_wait3A_197] : memref<2x128xi32, #tpu.memory_space<vmem>> -> memref<1x128xi32, #tpu.memory_space<vmem>>
          %dma_wait3A_199 = tpu.memref_squeeze %dma_wait3A_198 : memref<1x128xi32, #tpu.memory_space<vmem>> -> memref<128xi32, #tpu.memory_space<vmem>>
          %dma_wait3A_200 = arith.constant 0 : i32
          %dma_wait3A_201 = arith.constant 0 : i32
          %dma_wait3A_202 = tpu.memref_slice %arg11[%dma_wait3A_200, %dma_wait3A_201] : memref<10112x128xf32, #tpu.memory_space<vmem_shared>> -> memref<10112x128xf32, #tpu.memory_space<vmem_shared>>
          tpu.wait_indirect_dma semaphore(%run_scoped3A_190 : memref<!tpu.dma_semaphore, #tpu.memory_space<semaphore_mem>>) src(%arg10 : memref<128x128xf32, #tpu.memory_space<vmem>>) dst(%dma_wait3A_202 : memref<10112x128xf32, #tpu.memory_space<vmem_shared>>)
          tpu.yield
        }) : () -> ()
        %add3A_137 = arith.constant 4 : i32
        %add3A_138 = arith.addi %add3A_122, %add3A_137 : i32
        %lt3A_139 = arith.constant 80 : i32
        %lt3A_140 = arith.cmpi slt, %add3A_138, %lt3A_139 : i32
        %convert_element_type3A_141 = arith.extui %lt3A_140 : i1 to i32
        %cond3A_142 = arith.constant 0 : i32
        %cond3A_143 = arith.cmpi ne, %convert_element_type3A_141, %cond3A_142 : i32
        scf.if %cond3A_143 {
          %add3A_190 = arith.constant 4 : i32
          %add3A_191 = arith.addi %add3A_122, %add3A_190 : i32
          %add3A_192 = arith.addi %mul3A_29, %add3A_191 : i32
          %mul3A_193 = arith.constant 128 : i32
          %mul3A_194 = arith.muli %add3A_192, %mul3A_193 : i32
          %dma_start3A_195 = arith.constant 0 : i32
          %dma_start3A_196 = tpu.memref_slice %arg3[%dma_start3A_195, %mul3A_194] : memref<2x320000xi32, #tpu.memory_space<hbm>> -> memref<2x128xi32, #tpu.memory_space<hbm>>
          %dma_start3A_197 = arith.constant 0 : i32
          %dma_start3A_198 = tpu.memref_slice %arg3[%dma_start3A_197, %mul3A_194] : memref<2x320000xi32, #tpu.memory_space<hbm>> -> memref<2x128xi32, #tpu.memory_space<hbm>>
          tpu.enqueue_dma source(%dma_start3A_198 : memref<2x128xi32, #tpu.memory_space<hbm>>) target(%arg6 : memref<2x128xi32, #tpu.memory_space<vmem>>) target_semaphore(%arg15 : memref<!tpu.dma_semaphore, #tpu.memory_space<semaphore_mem>>)
        } else {
        }
        %add3A_144 = arith.constant 2 : i32
        %add3A_145 = arith.addi %mul3A_98, %add3A_144 : i32
        %add3A_146 = arith.constant 1 : i32
        %add3A_147 = arith.addi %add3A_145, %add3A_146 : i32
        %lt3A_148 = arith.constant 80 : i32
        %lt3A_149 = arith.cmpi slt, %add3A_147, %lt3A_148 : i32
        %convert_element_type3A_150 = arith.extui %lt3A_149 : i1 to i32
        %cond3A_151 = arith.constant 0 : i32
        %cond3A_152 = arith.cmpi ne, %convert_element_type3A_150, %cond3A_151 : i32
        scf.if %cond3A_152 {
          %dma_wait3A_190 = arith.constant 0 : i32
          %dma_wait3A_191 = arith.constant 0 : i32
          %dma_wait3A_192 = tpu.memref_slice %arg3[%dma_wait3A_190, %dma_wait3A_191] : memref<2x320000xi32, #tpu.memory_space<hbm>> -> memref<2x128xi32, #tpu.memory_space<hbm>>
          %dma_wait3A_193 = arith.constant 0 : i32
          %dma_wait3A_194 = arith.constant 0 : i32
          %dma_wait3A_195 = tpu.memref_slice %arg3[%dma_wait3A_193, %dma_wait3A_194] : memref<2x320000xi32, #tpu.memory_space<hbm>> -> memref<2x128xi32, #tpu.memory_space<hbm>>
          tpu.wait_dma2 semaphore(%arg17 : memref<!tpu.dma_semaphore, #tpu.memory_space<semaphore_mem>>) src(%dma_wait3A_195 : memref<2x128xi32, #tpu.memory_space<hbm>>) dst(%arg8 : memref<2x128xi32, #tpu.memory_space<vmem>>)
          %dma_start3A_196 = arith.constant 0 : i32
          %dma_start3A_197 = arith.constant 0 : i32
          %dma_start3A_198 = tpu.memref_slice %arg8[%dma_start3A_196, %dma_start3A_197] : memref<2x128xi32, #tpu.memory_space<vmem>> -> memref<1x128xi32, #tpu.memory_space<vmem>>
          %dma_start3A_199 = tpu.memref_squeeze %dma_start3A_198 : memref<1x128xi32, #tpu.memory_space<vmem>> -> memref<128xi32, #tpu.memory_space<vmem>>
          %dma_start3A_200 = arith.constant 0 : i32
          %dma_start3A_201 = arith.constant 0 : i32
          %dma_start3A_202 = tpu.memref_slice %arg2[%dma_start3A_200, %dma_start3A_201] : memref<10000x128xf32, #tpu.memory_space<hbm>> -> memref<10000x128xf32, #tpu.memory_space<hbm>>
          tpu.enqueue_indirect_dma source(%dma_start3A_202 : memref<10000x128xf32, #tpu.memory_space<hbm>>) target(%arg10 : memref<128x128xf32, #tpu.memory_space<vmem>>) offsets(%dma_start3A_199 : memref<128xi32, #tpu.memory_space<vmem>>) semaphore(%arg13 : memref<!tpu.dma_semaphore, #tpu.memory_space<semaphore_mem>>)
        } else {
        }
        %dma_wait3A_153 = arith.constant 0 : i32
        %dma_wait3A_154 = arith.constant 0 : i32
        %dma_wait3A_155 = tpu.memref_slice %arg2[%dma_wait3A_153, %dma_wait3A_154] : memref<10000x128xf32, #tpu.memory_space<hbm>> -> memref<128x128xf32, #tpu.memory_space<hbm>>
        %dma_wait3A_156 = arith.constant 0 : i32
        %dma_wait3A_157 = arith.constant 0 : i32
        %dma_wait3A_158 = tpu.memref_slice %arg2[%dma_wait3A_156, %dma_wait3A_157] : memref<10000x128xf32, #tpu.memory_space<hbm>> -> memref<128x128xf32, #tpu.memory_space<hbm>>
        tpu.wait_dma2 semaphore(%arg12 : memref<!tpu.dma_semaphore, #tpu.memory_space<semaphore_mem>>) src(%dma_wait3A_158 : memref<128x128xf32, #tpu.memory_space<hbm>>) dst(%arg9 : memref<128x128xf32, #tpu.memory_space<vmem>>)
        %run_scoped3A_159 = arith.constant 1 : i32
        "tpu.region"() ({
          %run_scoped3A_190 = tpu.sem_alloc : memref<!tpu.dma_semaphore, #tpu.memory_space<semaphore_mem>>
          %dma_start3A_191 = arith.constant 0 : i32
          %dma_start3A_192 = tpu.memref_slice %arg7[%run_scoped3A_159, %dma_start3A_191] : memref<2x128xi32, #tpu.memory_space<vmem>> -> memref<1x128xi32, #tpu.memory_space<vmem>>
          %dma_start3A_193 = tpu.memref_squeeze %dma_start3A_192 : memref<1x128xi32, #tpu.memory_space<vmem>> -> memref<128xi32, #tpu.memory_space<vmem>>
          %dma_start3A_194 = arith.constant 0 : i32
          %dma_start3A_195 = arith.constant 0 : i32
          %dma_start3A_196 = tpu.memref_slice %arg11[%dma_start3A_194, %dma_start3A_195] : memref<10112x128xf32, #tpu.memory_space<vmem_shared>> -> memref<10112x128xf32, #tpu.memory_space<vmem_shared>>
          tpu.enqueue_indirect_dma source(%arg9 : memref<128x128xf32, #tpu.memory_space<vmem>>) target(%dma_start3A_196 : memref<10112x128xf32, #tpu.memory_space<vmem_shared>>) offsets(%dma_start3A_193 : memref<128xi32, #tpu.memory_space<vmem>>) semaphore(%run_scoped3A_190 : memref<!tpu.dma_semaphore, #tpu.memory_space<semaphore_mem>>) {add = true}
          %dma_wait3A_197 = arith.constant 0 : i32
          %dma_wait3A_198 = tpu.memref_slice %arg7[%run_scoped3A_159, %dma_wait3A_197] : memref<2x128xi32, #tpu.memory_space<vmem>> -> memref<1x128xi32, #tpu.memory_space<vmem>>
          %dma_wait3A_199 = tpu.memref_squeeze %dma_wait3A_198 : memref<1x128xi32, #tpu.memory_space<vmem>> -> memref<128xi32, #tpu.memory_space<vmem>>
          %dma_wait3A_200 = arith.constant 0 : i32
          %dma_wait3A_201 = arith.constant 0 : i32
          %dma_wait3A_202 = tpu.memref_slice %arg11[%dma_wait3A_200, %dma_wait3A_201] : memref<10112x128xf32, #tpu.memory_space<vmem_shared>> -> memref<10112x128xf32, #tpu.memory_space<vmem_shared>>
          tpu.wait_indirect_dma semaphore(%run_scoped3A_190 : memref<!tpu.dma_semaphore, #tpu.memory_space<semaphore_mem>>) src(%arg9 : memref<128x128xf32, #tpu.memory_space<vmem>>) dst(%dma_wait3A_202 : memref<10112x128xf32, #tpu.memory_space<vmem_shared>>)
          tpu.yield
        }) : () -> ()
        %add3A_160 = arith.constant 4 : i32
        %add3A_161 = arith.addi %add3A_145, %add3A_160 : i32
        %lt3A_162 = arith.constant 80 : i32
        %lt3A_163 = arith.cmpi slt, %add3A_161, %lt3A_162 : i32
        %convert_element_type3A_164 = arith.extui %lt3A_163 : i1 to i32
        %cond3A_165 = arith.constant 0 : i32
        %cond3A_166 = arith.cmpi ne, %convert_element_type3A_164, %cond3A_165 : i32
        scf.if %cond3A_166 {
          %add3A_190 = arith.constant 4 : i32
          %add3A_191 = arith.addi %add3A_145, %add3A_190 : i32
          %add3A_192 = arith.addi %mul3A_29, %add3A_191 : i32
          %mul3A_193 = arith.constant 128 : i32
          %mul3A_194 = arith.muli %add3A_192, %mul3A_193 : i32
          %dma_start3A_195 = arith.constant 0 : i32
          %dma_start3A_196 = tpu.memref_slice %arg3[%dma_start3A_195, %mul3A_194] : memref<2x320000xi32, #tpu.memory_space<hbm>> -> memref<2x128xi32, #tpu.memory_space<hbm>>
          %dma_start3A_197 = arith.constant 0 : i32
          %dma_start3A_198 = tpu.memref_slice %arg3[%dma_start3A_197, %mul3A_194] : memref<2x320000xi32, #tpu.memory_space<hbm>> -> memref<2x128xi32, #tpu.memory_space<hbm>>
          tpu.enqueue_dma source(%dma_start3A_198 : memref<2x128xi32, #tpu.memory_space<hbm>>) target(%arg7 : memref<2x128xi32, #tpu.memory_space<vmem>>) target_semaphore(%arg16 : memref<!tpu.dma_semaphore, #tpu.memory_space<semaphore_mem>>)
        } else {
        }
        %add3A_167 = arith.constant 3 : i32
        %add3A_168 = arith.addi %mul3A_98, %add3A_167 : i32
        %add3A_169 = arith.constant 1 : i32
        %add3A_170 = arith.addi %add3A_168, %add3A_169 : i32
        %lt3A_171 = arith.constant 80 : i32
        %lt3A_172 = arith.cmpi slt, %add3A_170, %lt3A_171 : i32
        %convert_element_type3A_173 = arith.extui %lt3A_172 : i1 to i32
        %cond3A_174 = arith.constant 0 : i32
        %cond3A_175 = arith.cmpi ne, %convert_element_type3A_173, %cond3A_174 : i32
        scf.if %cond3A_175 {
          %dma_wait3A_190 = arith.constant 0 : i32
          %dma_wait3A_191 = arith.constant 0 : i32
          %dma_wait3A_192 = tpu.memref_slice %arg3[%dma_wait3A_190, %dma_wait3A_191] : memref<2x320000xi32, #tpu.memory_space<hbm>> -> memref<2x128xi32, #tpu.memory_space<hbm>>
          %dma_wait3A_193 = arith.constant 0 : i32
          %dma_wait3A_194 = arith.constant 0 : i32
          %dma_wait3A_195 = tpu.memref_slice %arg3[%dma_wait3A_193, %dma_wait3A_194] : memref<2x320000xi32, #tpu.memory_space<hbm>> -> memref<2x128xi32, #tpu.memory_space<hbm>>
          tpu.wait_dma2 semaphore(%arg14 : memref<!tpu.dma_semaphore, #tpu.memory_space<semaphore_mem>>) src(%dma_wait3A_195 : memref<2x128xi32, #tpu.memory_space<hbm>>) dst(%arg5 : memref<2x128xi32, #tpu.memory_space<vmem>>)
          %dma_start3A_196 = arith.constant 0 : i32
          %dma_start3A_197 = arith.constant 0 : i32
          %dma_start3A_198 = tpu.memref_slice %arg5[%dma_start3A_196, %dma_start3A_197] : memref<2x128xi32, #tpu.memory_space<vmem>> -> memref<1x128xi32, #tpu.memory_space<vmem>>
          %dma_start3A_199 = tpu.memref_squeeze %dma_start3A_198 : memref<1x128xi32, #tpu.memory_space<vmem>> -> memref<128xi32, #tpu.memory_space<vmem>>
          %dma_start3A_200 = arith.constant 0 : i32
          %dma_start3A_201 = arith.constant 0 : i32
          %dma_start3A_202 = tpu.memref_slice %arg2[%dma_start3A_200, %dma_start3A_201] : memref<10000x128xf32, #tpu.memory_space<hbm>> -> memref<10000x128xf32, #tpu.memory_space<hbm>>
          tpu.enqueue_indirect_dma source(%dma_start3A_202 : memref<10000x128xf32, #tpu.memory_space<hbm>>) target(%arg9 : memref<128x128xf32, #tpu.memory_space<vmem>>) offsets(%dma_start3A_199 : memref<128xi32, #tpu.memory_space<vmem>>) semaphore(%arg12 : memref<!tpu.dma_semaphore, #tpu.memory_space<semaphore_mem>>)
        } else {
        }
        %dma_wait3A_176 = arith.constant 0 : i32
        %dma_wait3A_177 = arith.constant 0 : i32
        %dma_wait3A_178 = tpu.memref_slice %arg2[%dma_wait3A_176, %dma_wait3A_177] : memref<10000x128xf32, #tpu.memory_space<hbm>> -> memref<128x128xf32, #tpu.memory_space<hbm>>
        %dma_wait3A_179 = arith.constant 0 : i32
        %dma_wait3A_180 = arith.constant 0 : i32
        %dma_wait3A_181 = tpu.memref_slice %arg2[%dma_wait3A_179, %dma_wait3A_180] : memref<10000x128xf32, #tpu.memory_space<hbm>> -> memref<128x128xf32, #tpu.memory_space<hbm>>
        tpu.wait_dma2 semaphore(%arg13 : memref<!tpu.dma_semaphore, #tpu.memory_space<semaphore_mem>>) src(%dma_wait3A_181 : memref<128x128xf32, #tpu.memory_space<hbm>>) dst(%arg10 : memref<128x128xf32, #tpu.memory_space<vmem>>)
        %run_scoped3A_182 = arith.constant 1 : i32
        "tpu.region"() ({
          %run_scoped3A_190 = tpu.sem_alloc : memref<!tpu.dma_semaphore, #tpu.memory_space<semaphore_mem>>
          %dma_start3A_191 = arith.constant 0 : i32
          %dma_start3A_192 = tpu.memref_slice %arg8[%run_scoped3A_182, %dma_start3A_191] : memref<2x128xi32, #tpu.memory_space<vmem>> -> memref<1x128xi32, #tpu.memory_space<vmem>>
          %dma_start3A_193 = tpu.memref_squeeze %dma_start3A_192 : memref<1x128xi32, #tpu.memory_space<vmem>> -> memref<128xi32, #tpu.memory_space<vmem>>
          %dma_start3A_194 = arith.constant 0 : i32
          %dma_start3A_195 = arith.constant 0 : i32
          %dma_start3A_196 = tpu.memref_slice %arg11[%dma_start3A_194, %dma_start3A_195] : memref<10112x128xf32, #tpu.memory_space<vmem_shared>> -> memref<10112x128xf32, #tpu.memory_space<vmem_shared>>
          tpu.enqueue_indirect_dma source(%arg10 : memref<128x128xf32, #tpu.memory_space<vmem>>) target(%dma_start3A_196 : memref<10112x128xf32, #tpu.memory_space<vmem_shared>>) offsets(%dma_start3A_193 : memref<128xi32, #tpu.memory_space<vmem>>) semaphore(%run_scoped3A_190 : memref<!tpu.dma_semaphore, #tpu.memory_space<semaphore_mem>>) {add = true}
          %dma_wait3A_197 = arith.constant 0 : i32
          %dma_wait3A_198 = tpu.memref_slice %arg8[%run_scoped3A_182, %dma_wait3A_197] : memref<2x128xi32, #tpu.memory_space<vmem>> -> memref<1x128xi32, #tpu.memory_space<vmem>>
          %dma_wait3A_199 = tpu.memref_squeeze %dma_wait3A_198 : memref<1x128xi32, #tpu.memory_space<vmem>> -> memref<128xi32, #tpu.memory_space<vmem>>
          %dma_wait3A_200 = arith.constant 0 : i32
          %dma_wait3A_201 = arith.constant 0 : i32
          %dma_wait3A_202 = tpu.memref_slice %arg11[%dma_wait3A_200, %dma_wait3A_201] : memref<10112x128xf32, #tpu.memory_space<vmem_shared>> -> memref<10112x128xf32, #tpu.memory_space<vmem_shared>>
          tpu.wait_indirect_dma semaphore(%run_scoped3A_190 : memref<!tpu.dma_semaphore, #tpu.memory_space<semaphore_mem>>) src(%arg10 : memref<128x128xf32, #tpu.memory_space<vmem>>) dst(%dma_wait3A_202 : memref<10112x128xf32, #tpu.memory_space<vmem_shared>>)
          tpu.yield
        }) : () -> ()
        %add3A_183 = arith.constant 4 : i32
        %add3A_184 = arith.addi %add3A_168, %add3A_183 : i32
        %lt3A_185 = arith.constant 80 : i32
        %lt3A_186 = arith.cmpi slt, %add3A_184, %lt3A_185 : i32
        %convert_element_type3A_187 = arith.extui %lt3A_186 : i1 to i32
        %cond3A_188 = arith.constant 0 : i32
        %cond3A_189 = arith.cmpi ne, %convert_element_type3A_187, %cond3A_188 : i32
        scf.if %cond3A_189 {
          %add3A_190 = arith.constant 4 : i32
          %add3A_191 = arith.addi %add3A_168, %add3A_190 : i32
          %add3A_192 = arith.addi %mul3A_29, %add3A_191 : i32
          %mul3A_193 = arith.constant 128 : i32
          %mul3A_194 = arith.muli %add3A_192, %mul3A_193 : i32
          %dma_start3A_195 = arith.constant 0 : i32
          %dma_start3A_196 = tpu.memref_slice %arg3[%dma_start3A_195, %mul3A_194] : memref<2x320000xi32, #tpu.memory_space<hbm>> -> memref<2x128xi32, #tpu.memory_space<hbm>>
          %dma_start3A_197 = arith.constant 0 : i32
          %dma_start3A_198 = tpu.memref_slice %arg3[%dma_start3A_197, %mul3A_194] : memref<2x320000xi32, #tpu.memory_space<hbm>> -> memref<2x128xi32, #tpu.memory_space<hbm>>
          tpu.enqueue_dma source(%dma_start3A_198 : memref<2x128xi32, #tpu.memory_space<hbm>>) target(%arg8 : memref<2x128xi32, #tpu.memory_space<vmem>>) target_semaphore(%arg17 : memref<!tpu.dma_semaphore, #tpu.memory_space<semaphore_mem>>)
        } else {
        }
      }
      %scan3A_95 = arith.constant 20 : i32
    } else {
    }
    %eq3A = arith.constant 31 : i32
    %eq3A_32 = arith.cmpi eq, %add3A, %eq3A : i32
    %convert_element_type3A_33 = arith.extui %eq3A_32 : i1 to i32
    %cond3A_34 = arith.constant 0 : i32
    %cond3A_35 = arith.cmpi ne, %convert_element_type3A_33, %cond3A_34 : i32
    scf.if %cond3A_35 {
      %add3A_47 = arith.constant 0 : i32
      %add3A_48 = arith.addi %mul3A_29, %add3A_47 : i32
      %mul3A_49 = arith.constant 128 : i32
      %mul3A_50 = arith.muli %add3A_48, %mul3A_49 : i32
      %dma_start3A = arith.constant 0 : i32
      %dma_start3A_51 = tpu.memref_slice %arg3[%dma_start3A, %mul3A_50] : memref<2x320000xi32, #tpu.memory_space<hbm>> -> memref<2x128xi32, #tpu.memory_space<hbm>>
      %dma_start3A_52 = arith.constant 0 : i32
      %dma_start3A_53 = tpu.memref_slice %arg3[%dma_start3A_52, %mul3A_50] : memref<2x320000xi32, #tpu.memory_space<hbm>> -> memref<2x128xi32, #tpu.memory_space<hbm>>
      tpu.enqueue_dma source(%dma_start3A_53 : memref<2x128xi32, #tpu.memory_space<hbm>>) target(%arg5 : memref<2x128xi32, #tpu.memory_space<vmem>>) target_semaphore(%arg14 : memref<!tpu.dma_semaphore, #tpu.memory_space<semaphore_mem>>)
      %add3A_54 = arith.constant 1 : i32
      %add3A_55 = arith.addi %mul3A_29, %add3A_54 : i32
      %mul3A_56 = arith.constant 128 : i32
      %mul3A_57 = arith.muli %add3A_55, %mul3A_56 : i32
      %dma_start3A_58 = arith.constant 0 : i32
      %dma_start3A_59 = tpu.memref_slice %arg3[%dma_start3A_58, %mul3A_57] : memref<2x320000xi32, #tpu.memory_space<hbm>> -> memref<2x128xi32, #tpu.memory_space<hbm>>
      %dma_start3A_60 = arith.constant 0 : i32
      %dma_start3A_61 = tpu.memref_slice %arg3[%dma_start3A_60, %mul3A_57] : memref<2x320000xi32, #tpu.memory_space<hbm>> -> memref<2x128xi32, #tpu.memory_space<hbm>>
      tpu.enqueue_dma source(%dma_start3A_61 : memref<2x128xi32, #tpu.memory_space<hbm>>) target(%arg6 : memref<2x128xi32, #tpu.memory_space<vmem>>) target_semaphore(%arg15 : memref<!tpu.dma_semaphore, #tpu.memory_space<semaphore_mem>>)
      %dma_wait3A = arith.constant 0 : i32
      %dma_wait3A_62 = arith.constant 0 : i32
      %dma_wait3A_63 = tpu.memref_slice %arg3[%dma_wait3A, %dma_wait3A_62] : memref<2x320000xi32, #tpu.memory_space<hbm>> -> memref<2x128xi32, #tpu.memory_space<hbm>>
      %dma_wait3A_64 = arith.constant 0 : i32
      %dma_wait3A_65 = arith.constant 0 : i32
      %dma_wait3A_66 = tpu.memref_slice %arg3[%dma_wait3A_64, %dma_wait3A_65] : memref<2x320000xi32, #tpu.memory_space<hbm>> -> memref<2x128xi32, #tpu.memory_space<hbm>>
      tpu.wait_dma2 semaphore(%arg14 : memref<!tpu.dma_semaphore, #tpu.memory_space<semaphore_mem>>) src(%dma_wait3A_66 : memref<2x128xi32, #tpu.memory_space<hbm>>) dst(%arg5 : memref<2x128xi32, #tpu.memory_space<vmem>>)
      %dma_start3A_67 = arith.constant 0 : i32
      %dma_start3A_68 = arith.constant 0 : i32
      %dma_start3A_69 = tpu.memref_slice %arg5[%dma_start3A_67, %dma_start3A_68] : memref<2x128xi32, #tpu.memory_space<vmem>> -> memref<1x128xi32, #tpu.memory_space<vmem>>
      %dma_start3A_70 = tpu.memref_squeeze %dma_start3A_69 : memref<1x128xi32, #tpu.memory_space<vmem>> -> memref<128xi32, #tpu.memory_space<vmem>>
      %dma_start3A_71 = arith.constant 0 : i32
      %dma_start3A_72 = arith.constant 0 : i32
      %dma_start3A_73 = tpu.memref_slice %arg2[%dma_start3A_71, %dma_start3A_72] : memref<10000x128xf32, #tpu.memory_space<hbm>> -> memref<10000x128xf32, #tpu.memory_space<hbm>>
      tpu.enqueue_indirect_dma source(%dma_start3A_73 : memref<10000x128xf32, #tpu.memory_space<hbm>>) target(%arg9 : memref<128x128xf32, #tpu.memory_space<vmem>>) offsets(%dma_start3A_70 : memref<128xi32, #tpu.memory_space<vmem>>) semaphore(%arg12 : memref<!tpu.dma_semaphore, #tpu.memory_space<semaphore_mem>>)
      %add3A_74 = arith.constant 2 : i32
      %add3A_75 = arith.addi %mul3A_29, %add3A_74 : i32
      %mul3A_76 = arith.constant 128 : i32
      %mul3A_77 = arith.muli %add3A_75, %mul3A_76 : i32
      %dma_start3A_78 = arith.constant 0 : i32
      %dma_start3A_79 = tpu.memref_slice %arg3[%dma_start3A_78, %mul3A_77] : memref<2x320000xi32, #tpu.memory_space<hbm>> -> memref<2x128xi32, #tpu.memory_space<hbm>>
      %dma_start3A_80 = arith.constant 0 : i32
      %dma_start3A_81 = tpu.memref_slice %arg3[%dma_start3A_80, %mul3A_77] : memref<2x320000xi32, #tpu.memory_space<hbm>> -> memref<2x128xi32, #tpu.memory_space<hbm>>
      tpu.enqueue_dma source(%dma_start3A_81 : memref<2x128xi32, #tpu.memory_space<hbm>>) target(%arg7 : memref<2x128xi32, #tpu.memory_space<vmem>>) target_semaphore(%arg16 : memref<!tpu.dma_semaphore, #tpu.memory_space<semaphore_mem>>)
      %add3A_82 = arith.constant 3 : i32
      %add3A_83 = arith.addi %mul3A_29, %add3A_82 : i32
      %mul3A_84 = arith.constant 128 : i32
      %mul3A_85 = arith.muli %add3A_83, %mul3A_84 : i32
      %dma_start3A_86 = arith.constant 0 : i32
      %dma_start3A_87 = tpu.memref_slice %arg3[%dma_start3A_86, %mul3A_85] : memref<2x320000xi32, #tpu.memory_space<hbm>> -> memref<2x128xi32, #tpu.memory_space<hbm>>
      %dma_start3A_88 = arith.constant 0 : i32
      %dma_start3A_89 = tpu.memref_slice %arg3[%dma_start3A_88, %mul3A_85] : memref<2x320000xi32, #tpu.memory_space<hbm>> -> memref<2x128xi32, #tpu.memory_space<hbm>>
      tpu.enqueue_dma source(%dma_start3A_89 : memref<2x128xi32, #tpu.memory_space<hbm>>) target(%arg8 : memref<2x128xi32, #tpu.memory_space<vmem>>) target_semaphore(%arg17 : memref<!tpu.dma_semaphore, #tpu.memory_space<semaphore_mem>>)
      %scan3A_90 = arith.constant 0 : i32
      %scan3A_91 = arith.constant 0 : i32
      %scan3A_92 = arith.constant 5 : i32
      %scan3A_93 = arith.addi %scan3A_91, %scan3A_92 : i32
      %scan3A_94 = arith.constant 1 : i32
      scf.for %scan3A_96 = %scan3A_91 to %scan3A_93 step %scan3A_94  : i32 {
        %mul3A_97 = arith.constant 4 : i32
        %mul3A_98 = arith.muli %mul3A_97, %scan3A_96 : i32
        %add3A_99 = arith.constant 0 : i32
        %add3A_100 = arith.addi %mul3A_98, %add3A_99 : i32
        %add3A_101 = arith.constant 1 : i32
        %add3A_102 = arith.addi %add3A_100, %add3A_101 : i32
        %lt3A_103 = arith.constant 20 : i32
        %lt3A_104 = arith.cmpi slt, %add3A_102, %lt3A_103 : i32
        %convert_element_type3A_105 = arith.extui %lt3A_104 : i1 to i32
        %cond3A_106 = arith.constant 0 : i32
        %cond3A_107 = arith.cmpi ne, %convert_element_type3A_105, %cond3A_106 : i32
        scf.if %cond3A_107 {
          %dma_wait3A_190 = arith.constant 0 : i32
          %dma_wait3A_191 = arith.constant 0 : i32
          %dma_wait3A_192 = tpu.memref_slice %arg3[%dma_wait3A_190, %dma_wait3A_191] : memref<2x320000xi32, #tpu.memory_space<hbm>> -> memref<2x128xi32, #tpu.memory_space<hbm>>
          %dma_wait3A_193 = arith.constant 0 : i32
          %dma_wait3A_194 = arith.constant 0 : i32
          %dma_wait3A_195 = tpu.memref_slice %arg3[%dma_wait3A_193, %dma_wait3A_194] : memref<2x320000xi32, #tpu.memory_space<hbm>> -> memref<2x128xi32, #tpu.memory_space<hbm>>
          tpu.wait_dma2 semaphore(%arg15 : memref<!tpu.dma_semaphore, #tpu.memory_space<semaphore_mem>>) src(%dma_wait3A_195 : memref<2x128xi32, #tpu.memory_space<hbm>>) dst(%arg6 : memref<2x128xi32, #tpu.memory_space<vmem>>)
          %dma_start3A_196 = arith.constant 0 : i32
          %dma_start3A_197 = arith.constant 0 : i32
          %dma_start3A_198 = tpu.memref_slice %arg6[%dma_start3A_196, %dma_start3A_197] : memref<2x128xi32, #tpu.memory_space<vmem>> -> memref<1x128xi32, #tpu.memory_space<vmem>>
          %dma_start3A_199 = tpu.memref_squeeze %dma_start3A_198 : memref<1x128xi32, #tpu.memory_space<vmem>> -> memref<128xi32, #tpu.memory_space<vmem>>
          %dma_start3A_200 = arith.constant 0 : i32
          %dma_start3A_201 = arith.constant 0 : i32
          %dma_start3A_202 = tpu.memref_slice %arg2[%dma_start3A_200, %dma_start3A_201] : memref<10000x128xf32, #tpu.memory_space<hbm>> -> memref<10000x128xf32, #tpu.memory_space<hbm>>
          tpu.enqueue_indirect_dma source(%dma_start3A_202 : memref<10000x128xf32, #tpu.memory_space<hbm>>) target(%arg10 : memref<128x128xf32, #tpu.memory_space<vmem>>) offsets(%dma_start3A_199 : memref<128xi32, #tpu.memory_space<vmem>>) semaphore(%arg13 : memref<!tpu.dma_semaphore, #tpu.memory_space<semaphore_mem>>)
        } else {
        }
        %dma_wait3A_108 = arith.constant 0 : i32
        %dma_wait3A_109 = arith.constant 0 : i32
        %dma_wait3A_110 = tpu.memref_slice %arg2[%dma_wait3A_108, %dma_wait3A_109] : memref<10000x128xf32, #tpu.memory_space<hbm>> -> memref<128x128xf32, #tpu.memory_space<hbm>>
        %dma_wait3A_111 = arith.constant 0 : i32
        %dma_wait3A_112 = arith.constant 0 : i32
        %dma_wait3A_113 = tpu.memref_slice %arg2[%dma_wait3A_111, %dma_wait3A_112] : memref<10000x128xf32, #tpu.memory_space<hbm>> -> memref<128x128xf32, #tpu.memory_space<hbm>>
        tpu.wait_dma2 semaphore(%arg12 : memref<!tpu.dma_semaphore, #tpu.memory_space<semaphore_mem>>) src(%dma_wait3A_113 : memref<128x128xf32, #tpu.memory_space<hbm>>) dst(%arg9 : memref<128x128xf32, #tpu.memory_space<vmem>>)
        %run_scoped3A = arith.constant 1 : i32
        "tpu.region"() ({
          %run_scoped3A_190 = tpu.sem_alloc : memref<!tpu.dma_semaphore, #tpu.memory_space<semaphore_mem>>
          %dma_start3A_191 = arith.constant 0 : i32
          %dma_start3A_192 = tpu.memref_slice %arg5[%run_scoped3A, %dma_start3A_191] : memref<2x128xi32, #tpu.memory_space<vmem>> -> memref<1x128xi32, #tpu.memory_space<vmem>>
          %dma_start3A_193 = tpu.memref_squeeze %dma_start3A_192 : memref<1x128xi32, #tpu.memory_space<vmem>> -> memref<128xi32, #tpu.memory_space<vmem>>
          %dma_start3A_194 = arith.constant 0 : i32
          %dma_start3A_195 = arith.constant 0 : i32
          %dma_start3A_196 = tpu.memref_slice %arg11[%dma_start3A_194, %dma_start3A_195] : memref<10112x128xf32, #tpu.memory_space<vmem_shared>> -> memref<10112x128xf32, #tpu.memory_space<vmem_shared>>
          tpu.enqueue_indirect_dma source(%arg9 : memref<128x128xf32, #tpu.memory_space<vmem>>) target(%dma_start3A_196 : memref<10112x128xf32, #tpu.memory_space<vmem_shared>>) offsets(%dma_start3A_193 : memref<128xi32, #tpu.memory_space<vmem>>) semaphore(%run_scoped3A_190 : memref<!tpu.dma_semaphore, #tpu.memory_space<semaphore_mem>>) {add = true}
          %dma_wait3A_197 = arith.constant 0 : i32
          %dma_wait3A_198 = tpu.memref_slice %arg5[%run_scoped3A, %dma_wait3A_197] : memref<2x128xi32, #tpu.memory_space<vmem>> -> memref<1x128xi32, #tpu.memory_space<vmem>>
          %dma_wait3A_199 = tpu.memref_squeeze %dma_wait3A_198 : memref<1x128xi32, #tpu.memory_space<vmem>> -> memref<128xi32, #tpu.memory_space<vmem>>
          %dma_wait3A_200 = arith.constant 0 : i32
          %dma_wait3A_201 = arith.constant 0 : i32
          %dma_wait3A_202 = tpu.memref_slice %arg11[%dma_wait3A_200, %dma_wait3A_201] : memref<10112x128xf32, #tpu.memory_space<vmem_shared>> -> memref<10112x128xf32, #tpu.memory_space<vmem_shared>>
          tpu.wait_indirect_dma semaphore(%run_scoped3A_190 : memref<!tpu.dma_semaphore, #tpu.memory_space<semaphore_mem>>) src(%arg9 : memref<128x128xf32, #tpu.memory_space<vmem>>) dst(%dma_wait3A_202 : memref<10112x128xf32, #tpu.memory_space<vmem_shared>>)
          tpu.yield
        }) : () -> ()
        %add3A_114 = arith.constant 4 : i32
        %add3A_115 = arith.addi %add3A_100, %add3A_114 : i32
        %lt3A_116 = arith.constant 20 : i32
        %lt3A_117 = arith.cmpi slt, %add3A_115, %lt3A_116 : i32
        %convert_element_type3A_118 = arith.extui %lt3A_117 : i1 to i32
        %cond3A_119 = arith.constant 0 : i32
        %cond3A_120 = arith.cmpi ne, %convert_element_type3A_118, %cond3A_119 : i32
        scf.if %cond3A_120 {
          %add3A_190 = arith.constant 4 : i32
          %add3A_191 = arith.addi %add3A_100, %add3A_190 : i32
          %add3A_192 = arith.addi %mul3A_29, %add3A_191 : i32
          %mul3A_193 = arith.constant 128 : i32
          %mul3A_194 = arith.muli %add3A_192, %mul3A_193 : i32
          %dma_start3A_195 = arith.constant 0 : i32
          %dma_start3A_196 = tpu.memref_slice %arg3[%dma_start3A_195, %mul3A_194] : memref<2x320000xi32, #tpu.memory_space<hbm>> -> memref<2x128xi32, #tpu.memory_space<hbm>>
          %dma_start3A_197 = arith.constant 0 : i32
          %dma_start3A_198 = tpu.memref_slice %arg3[%dma_start3A_197, %mul3A_194] : memref<2x320000xi32, #tpu.memory_space<hbm>> -> memref<2x128xi32, #tpu.memory_space<hbm>>
          tpu.enqueue_dma source(%dma_start3A_198 : memref<2x128xi32, #tpu.memory_space<hbm>>) target(%arg5 : memref<2x128xi32, #tpu.memory_space<vmem>>) target_semaphore(%arg14 : memref<!tpu.dma_semaphore, #tpu.memory_space<semaphore_mem>>)
        } else {
        }
        %add3A_121 = arith.constant 1 : i32
        %add3A_122 = arith.addi %mul3A_98, %add3A_121 : i32
        %add3A_123 = arith.constant 1 : i32
        %add3A_124 = arith.addi %add3A_122, %add3A_123 : i32
        %lt3A_125 = arith.constant 20 : i32
        %lt3A_126 = arith.cmpi slt, %add3A_124, %lt3A_125 : i32
        %convert_element_type3A_127 = arith.extui %lt3A_126 : i1 to i32
        %cond3A_128 = arith.constant 0 : i32
        %cond3A_129 = arith.cmpi ne, %convert_element_type3A_127, %cond3A_128 : i32
        scf.if %cond3A_129 {
          %dma_wait3A_190 = arith.constant 0 : i32
          %dma_wait3A_191 = arith.constant 0 : i32
          %dma_wait3A_192 = tpu.memref_slice %arg3[%dma_wait3A_190, %dma_wait3A_191] : memref<2x320000xi32, #tpu.memory_space<hbm>> -> memref<2x128xi32, #tpu.memory_space<hbm>>
          %dma_wait3A_193 = arith.constant 0 : i32
          %dma_wait3A_194 = arith.constant 0 : i32
          %dma_wait3A_195 = tpu.memref_slice %arg3[%dma_wait3A_193, %dma_wait3A_194] : memref<2x320000xi32, #tpu.memory_space<hbm>> -> memref<2x128xi32, #tpu.memory_space<hbm>>
          tpu.wait_dma2 semaphore(%arg16 : memref<!tpu.dma_semaphore, #tpu.memory_space<semaphore_mem>>) src(%dma_wait3A_195 : memref<2x128xi32, #tpu.memory_space<hbm>>) dst(%arg7 : memref<2x128xi32, #tpu.memory_space<vmem>>)
          %dma_start3A_196 = arith.constant 0 : i32
          %dma_start3A_197 = arith.constant 0 : i32
          %dma_start3A_198 = tpu.memref_slice %arg7[%dma_start3A_196, %dma_start3A_197] : memref<2x128xi32, #tpu.memory_space<vmem>> -> memref<1x128xi32, #tpu.memory_space<vmem>>
          %dma_start3A_199 = tpu.memref_squeeze %dma_start3A_198 : memref<1x128xi32, #tpu.memory_space<vmem>> -> memref<128xi32, #tpu.memory_space<vmem>>
          %dma_start3A_200 = arith.constant 0 : i32
          %dma_start3A_201 = arith.constant 0 : i32
          %dma_start3A_202 = tpu.memref_slice %arg2[%dma_start3A_200, %dma_start3A_201] : memref<10000x128xf32, #tpu.memory_space<hbm>> -> memref<10000x128xf32, #tpu.memory_space<hbm>>
          tpu.enqueue_indirect_dma source(%dma_start3A_202 : memref<10000x128xf32, #tpu.memory_space<hbm>>) target(%arg9 : memref<128x128xf32, #tpu.memory_space<vmem>>) offsets(%dma_start3A_199 : memref<128xi32, #tpu.memory_space<vmem>>) semaphore(%arg12 : memref<!tpu.dma_semaphore, #tpu.memory_space<semaphore_mem>>)
        } else {
        }
        %dma_wait3A_130 = arith.constant 0 : i32
        %dma_wait3A_131 = arith.constant 0 : i32
        %dma_wait3A_132 = tpu.memref_slice %arg2[%dma_wait3A_130, %dma_wait3A_131] : memref<10000x128xf32, #tpu.memory_space<hbm>> -> memref<128x128xf32, #tpu.memory_space<hbm>>
        %dma_wait3A_133 = arith.constant 0 : i32
        %dma_wait3A_134 = arith.constant 0 : i32
        %dma_wait3A_135 = tpu.memref_slice %arg2[%dma_wait3A_133, %dma_wait3A_134] : memref<10000x128xf32, #tpu.memory_space<hbm>> -> memref<128x128xf32, #tpu.memory_space<hbm>>
        tpu.wait_dma2 semaphore(%arg13 : memref<!tpu.dma_semaphore, #tpu.memory_space<semaphore_mem>>) src(%dma_wait3A_135 : memref<128x128xf32, #tpu.memory_space<hbm>>) dst(%arg10 : memref<128x128xf32, #tpu.memory_space<vmem>>)
        %run_scoped3A_136 = arith.constant 1 : i32
        "tpu.region"() ({
          %run_scoped3A_190 = tpu.sem_alloc : memref<!tpu.dma_semaphore, #tpu.memory_space<semaphore_mem>>
          %dma_start3A_191 = arith.constant 0 : i32
          %dma_start3A_192 = tpu.memref_slice %arg6[%run_scoped3A_136, %dma_start3A_191] : memref<2x128xi32, #tpu.memory_space<vmem>> -> memref<1x128xi32, #tpu.memory_space<vmem>>
          %dma_start3A_193 = tpu.memref_squeeze %dma_start3A_192 : memref<1x128xi32, #tpu.memory_space<vmem>> -> memref<128xi32, #tpu.memory_space<vmem>>
          %dma_start3A_194 = arith.constant 0 : i32
          %dma_start3A_195 = arith.constant 0 : i32
          %dma_start3A_196 = tpu.memref_slice %arg11[%dma_start3A_194, %dma_start3A_195] : memref<10112x128xf32, #tpu.memory_space<vmem_shared>> -> memref<10112x128xf32, #tpu.memory_space<vmem_shared>>
          tpu.enqueue_indirect_dma source(%arg10 : memref<128x128xf32, #tpu.memory_space<vmem>>) target(%dma_start3A_196 : memref<10112x128xf32, #tpu.memory_space<vmem_shared>>) offsets(%dma_start3A_193 : memref<128xi32, #tpu.memory_space<vmem>>) semaphore(%run_scoped3A_190 : memref<!tpu.dma_semaphore, #tpu.memory_space<semaphore_mem>>) {add = true}
          %dma_wait3A_197 = arith.constant 0 : i32
          %dma_wait3A_198 = tpu.memref_slice %arg6[%run_scoped3A_136, %dma_wait3A_197] : memref<2x128xi32, #tpu.memory_space<vmem>> -> memref<1x128xi32, #tpu.memory_space<vmem>>
          %dma_wait3A_199 = tpu.memref_squeeze %dma_wait3A_198 : memref<1x128xi32, #tpu.memory_space<vmem>> -> memref<128xi32, #tpu.memory_space<vmem>>
          %dma_wait3A_200 = arith.constant 0 : i32
          %dma_wait3A_201 = arith.constant 0 : i32
          %dma_wait3A_202 = tpu.memref_slice %arg11[%dma_wait3A_200, %dma_wait3A_201] : memref<10112x128xf32, #tpu.memory_space<vmem_shared>> -> memref<10112x128xf32, #tpu.memory_space<vmem_shared>>
          tpu.wait_indirect_dma semaphore(%run_scoped3A_190 : memref<!tpu.dma_semaphore, #tpu.memory_space<semaphore_mem>>) src(%arg10 : memref<128x128xf32, #tpu.memory_space<vmem>>) dst(%dma_wait3A_202 : memref<10112x128xf32, #tpu.memory_space<vmem_shared>>)
          tpu.yield
        }) : () -> ()
        %add3A_137 = arith.constant 4 : i32
        %add3A_138 = arith.addi %add3A_122, %add3A_137 : i32
        %lt3A_139 = arith.constant 20 : i32
        %lt3A_140 = arith.cmpi slt, %add3A_138, %lt3A_139 : i32
        %convert_element_type3A_141 = arith.extui %lt3A_140 : i1 to i32
        %cond3A_142 = arith.constant 0 : i32
        %cond3A_143 = arith.cmpi ne, %convert_element_type3A_141, %cond3A_142 : i32
        scf.if %cond3A_143 {
          %add3A_190 = arith.constant 4 : i32
          %add3A_191 = arith.addi %add3A_122, %add3A_190 : i32
          %add3A_192 = arith.addi %mul3A_29, %add3A_191 : i32
          %mul3A_193 = arith.constant 128 : i32
          %mul3A_194 = arith.muli %add3A_192, %mul3A_193 : i32
          %dma_start3A_195 = arith.constant 0 : i32
          %dma_start3A_196 = tpu.memref_slice %arg3[%dma_start3A_195, %mul3A_194] : memref<2x320000xi32, #tpu.memory_space<hbm>> -> memref<2x128xi32, #tpu.memory_space<hbm>>
          %dma_start3A_197 = arith.constant 0 : i32
          %dma_start3A_198 = tpu.memref_slice %arg3[%dma_start3A_197, %mul3A_194] : memref<2x320000xi32, #tpu.memory_space<hbm>> -> memref<2x128xi32, #tpu.memory_space<hbm>>
          tpu.enqueue_dma source(%dma_start3A_198 : memref<2x128xi32, #tpu.memory_space<hbm>>) target(%arg6 : memref<2x128xi32, #tpu.memory_space<vmem>>) target_semaphore(%arg15 : memref<!tpu.dma_semaphore, #tpu.memory_space<semaphore_mem>>)
        } else {
        }
        %add3A_144 = arith.constant 2 : i32
        %add3A_145 = arith.addi %mul3A_98, %add3A_144 : i32
        %add3A_146 = arith.constant 1 : i32
        %add3A_147 = arith.addi %add3A_145, %add3A_146 : i32
        %lt3A_148 = arith.constant 20 : i32
        %lt3A_149 = arith.cmpi slt, %add3A_147, %lt3A_148 : i32
        %convert_element_type3A_150 = arith.extui %lt3A_149 : i1 to i32
        %cond3A_151 = arith.constant 0 : i32
        %cond3A_152 = arith.cmpi ne, %convert_element_type3A_150, %cond3A_151 : i32
        scf.if %cond3A_152 {
          %dma_wait3A_190 = arith.constant 0 : i32
          %dma_wait3A_191 = arith.constant 0 : i32
          %dma_wait3A_192 = tpu.memref_slice %arg3[%dma_wait3A_190, %dma_wait3A_191] : memref<2x320000xi32, #tpu.memory_space<hbm>> -> memref<2x128xi32, #tpu.memory_space<hbm>>
          %dma_wait3A_193 = arith.constant 0 : i32
          %dma_wait3A_194 = arith.constant 0 : i32
          %dma_wait3A_195 = tpu.memref_slice %arg3[%dma_wait3A_193, %dma_wait3A_194] : memref<2x320000xi32, #tpu.memory_space<hbm>> -> memref<2x128xi32, #tpu.memory_space<hbm>>
          tpu.wait_dma2 semaphore(%arg17 : memref<!tpu.dma_semaphore, #tpu.memory_space<semaphore_mem>>) src(%dma_wait3A_195 : memref<2x128xi32, #tpu.memory_space<hbm>>) dst(%arg8 : memref<2x128xi32, #tpu.memory_space<vmem>>)
          %dma_start3A_196 = arith.constant 0 : i32
          %dma_start3A_197 = arith.constant 0 : i32
          %dma_start3A_198 = tpu.memref_slice %arg8[%dma_start3A_196, %dma_start3A_197] : memref<2x128xi32, #tpu.memory_space<vmem>> -> memref<1x128xi32, #tpu.memory_space<vmem>>
          %dma_start3A_199 = tpu.memref_squeeze %dma_start3A_198 : memref<1x128xi32, #tpu.memory_space<vmem>> -> memref<128xi32, #tpu.memory_space<vmem>>
          %dma_start3A_200 = arith.constant 0 : i32
          %dma_start3A_201 = arith.constant 0 : i32
          %dma_start3A_202 = tpu.memref_slice %arg2[%dma_start3A_200, %dma_start3A_201] : memref<10000x128xf32, #tpu.memory_space<hbm>> -> memref<10000x128xf32, #tpu.memory_space<hbm>>
          tpu.enqueue_indirect_dma source(%dma_start3A_202 : memref<10000x128xf32, #tpu.memory_space<hbm>>) target(%arg10 : memref<128x128xf32, #tpu.memory_space<vmem>>) offsets(%dma_start3A_199 : memref<128xi32, #tpu.memory_space<vmem>>) semaphore(%arg13 : memref<!tpu.dma_semaphore, #tpu.memory_space<semaphore_mem>>)
        } else {
        }
        %dma_wait3A_153 = arith.constant 0 : i32
        %dma_wait3A_154 = arith.constant 0 : i32
        %dma_wait3A_155 = tpu.memref_slice %arg2[%dma_wait3A_153, %dma_wait3A_154] : memref<10000x128xf32, #tpu.memory_space<hbm>> -> memref<128x128xf32, #tpu.memory_space<hbm>>
        %dma_wait3A_156 = arith.constant 0 : i32
        %dma_wait3A_157 = arith.constant 0 : i32
        %dma_wait3A_158 = tpu.memref_slice %arg2[%dma_wait3A_156, %dma_wait3A_157] : memref<10000x128xf32, #tpu.memory_space<hbm>> -> memref<128x128xf32, #tpu.memory_space<hbm>>
        tpu.wait_dma2 semaphore(%arg12 : memref<!tpu.dma_semaphore, #tpu.memory_space<semaphore_mem>>) src(%dma_wait3A_158 : memref<128x128xf32, #tpu.memory_space<hbm>>) dst(%arg9 : memref<128x128xf32, #tpu.memory_space<vmem>>)
        %run_scoped3A_159 = arith.constant 1 : i32
        "tpu.region"() ({
          %run_scoped3A_190 = tpu.sem_alloc : memref<!tpu.dma_semaphore, #tpu.memory_space<semaphore_mem>>
          %dma_start3A_191 = arith.constant 0 : i32
          %dma_start3A_192 = tpu.memref_slice %arg7[%run_scoped3A_159, %dma_start3A_191] : memref<2x128xi32, #tpu.memory_space<vmem>> -> memref<1x128xi32, #tpu.memory_space<vmem>>
          %dma_start3A_193 = tpu.memref_squeeze %dma_start3A_192 : memref<1x128xi32, #tpu.memory_space<vmem>> -> memref<128xi32, #tpu.memory_space<vmem>>
          %dma_start3A_194 = arith.constant 0 : i32
          %dma_start3A_195 = arith.constant 0 : i32
          %dma_start3A_196 = tpu.memref_slice %arg11[%dma_start3A_194, %dma_start3A_195] : memref<10112x128xf32, #tpu.memory_space<vmem_shared>> -> memref<10112x128xf32, #tpu.memory_space<vmem_shared>>
          tpu.enqueue_indirect_dma source(%arg9 : memref<128x128xf32, #tpu.memory_space<vmem>>) target(%dma_start3A_196 : memref<10112x128xf32, #tpu.memory_space<vmem_shared>>) offsets(%dma_start3A_193 : memref<128xi32, #tpu.memory_space<vmem>>) semaphore(%run_scoped3A_190 : memref<!tpu.dma_semaphore, #tpu.memory_space<semaphore_mem>>) {add = true}
          %dma_wait3A_197 = arith.constant 0 : i32
          %dma_wait3A_198 = tpu.memref_slice %arg7[%run_scoped3A_159, %dma_wait3A_197] : memref<2x128xi32, #tpu.memory_space<vmem>> -> memref<1x128xi32, #tpu.memory_space<vmem>>
          %dma_wait3A_199 = tpu.memref_squeeze %dma_wait3A_198 : memref<1x128xi32, #tpu.memory_space<vmem>> -> memref<128xi32, #tpu.memory_space<vmem>>
          %dma_wait3A_200 = arith.constant 0 : i32
          %dma_wait3A_201 = arith.constant 0 : i32
          %dma_wait3A_202 = tpu.memref_slice %arg11[%dma_wait3A_200, %dma_wait3A_201] : memref<10112x128xf32, #tpu.memory_space<vmem_shared>> -> memref<10112x128xf32, #tpu.memory_space<vmem_shared>>
          tpu.wait_indirect_dma semaphore(%run_scoped3A_190 : memref<!tpu.dma_semaphore, #tpu.memory_space<semaphore_mem>>) src(%arg9 : memref<128x128xf32, #tpu.memory_space<vmem>>) dst(%dma_wait3A_202 : memref<10112x128xf32, #tpu.memory_space<vmem_shared>>)
          tpu.yield
        }) : () -> ()
        %add3A_160 = arith.constant 4 : i32
        %add3A_161 = arith.addi %add3A_145, %add3A_160 : i32
        %lt3A_162 = arith.constant 20 : i32
        %lt3A_163 = arith.cmpi slt, %add3A_161, %lt3A_162 : i32
        %convert_element_type3A_164 = arith.extui %lt3A_163 : i1 to i32
        %cond3A_165 = arith.constant 0 : i32
        %cond3A_166 = arith.cmpi ne, %convert_element_type3A_164, %cond3A_165 : i32
        scf.if %cond3A_166 {
          %add3A_190 = arith.constant 4 : i32
          %add3A_191 = arith.addi %add3A_145, %add3A_190 : i32
          %add3A_192 = arith.addi %mul3A_29, %add3A_191 : i32
          %mul3A_193 = arith.constant 128 : i32
          %mul3A_194 = arith.muli %add3A_192, %mul3A_193 : i32
          %dma_start3A_195 = arith.constant 0 : i32
          %dma_start3A_196 = tpu.memref_slice %arg3[%dma_start3A_195, %mul3A_194] : memref<2x320000xi32, #tpu.memory_space<hbm>> -> memref<2x128xi32, #tpu.memory_space<hbm>>
          %dma_start3A_197 = arith.constant 0 : i32
          %dma_start3A_198 = tpu.memref_slice %arg3[%dma_start3A_197, %mul3A_194] : memref<2x320000xi32, #tpu.memory_space<hbm>> -> memref<2x128xi32, #tpu.memory_space<hbm>>
          tpu.enqueue_dma source(%dma_start3A_198 : memref<2x128xi32, #tpu.memory_space<hbm>>) target(%arg7 : memref<2x128xi32, #tpu.memory_space<vmem>>) target_semaphore(%arg16 : memref<!tpu.dma_semaphore, #tpu.memory_space<semaphore_mem>>)
        } else {
        }
        %add3A_167 = arith.constant 3 : i32
        %add3A_168 = arith.addi %mul3A_98, %add3A_167 : i32
        %add3A_169 = arith.constant 1 : i32
        %add3A_170 = arith.addi %add3A_168, %add3A_169 : i32
        %lt3A_171 = arith.constant 20 : i32
        %lt3A_172 = arith.cmpi slt, %add3A_170, %lt3A_171 : i32
        %convert_element_type3A_173 = arith.extui %lt3A_172 : i1 to i32
        %cond3A_174 = arith.constant 0 : i32
        %cond3A_175 = arith.cmpi ne, %convert_element_type3A_173, %cond3A_174 : i32
        scf.if %cond3A_175 {
          %dma_wait3A_190 = arith.constant 0 : i32
          %dma_wait3A_191 = arith.constant 0 : i32
          %dma_wait3A_192 = tpu.memref_slice %arg3[%dma_wait3A_190, %dma_wait3A_191] : memref<2x320000xi32, #tpu.memory_space<hbm>> -> memref<2x128xi32, #tpu.memory_space<hbm>>
          %dma_wait3A_193 = arith.constant 0 : i32
          %dma_wait3A_194 = arith.constant 0 : i32
          %dma_wait3A_195 = tpu.memref_slice %arg3[%dma_wait3A_193, %dma_wait3A_194] : memref<2x320000xi32, #tpu.memory_space<hbm>> -> memref<2x128xi32, #tpu.memory_space<hbm>>
          tpu.wait_dma2 semaphore(%arg14 : memref<!tpu.dma_semaphore, #tpu.memory_space<semaphore_mem>>) src(%dma_wait3A_195 : memref<2x128xi32, #tpu.memory_space<hbm>>) dst(%arg5 : memref<2x128xi32, #tpu.memory_space<vmem>>)
          %dma_start3A_196 = arith.constant 0 : i32
          %dma_start3A_197 = arith.constant 0 : i32
          %dma_start3A_198 = tpu.memref_slice %arg5[%dma_start3A_196, %dma_start3A_197] : memref<2x128xi32, #tpu.memory_space<vmem>> -> memref<1x128xi32, #tpu.memory_space<vmem>>
          %dma_start3A_199 = tpu.memref_squeeze %dma_start3A_198 : memref<1x128xi32, #tpu.memory_space<vmem>> -> memref<128xi32, #tpu.memory_space<vmem>>
          %dma_start3A_200 = arith.constant 0 : i32
          %dma_start3A_201 = arith.constant 0 : i32
          %dma_start3A_202 = tpu.memref_slice %arg2[%dma_start3A_200, %dma_start3A_201] : memref<10000x128xf32, #tpu.memory_space<hbm>> -> memref<10000x128xf32, #tpu.memory_space<hbm>>
          tpu.enqueue_indirect_dma source(%dma_start3A_202 : memref<10000x128xf32, #tpu.memory_space<hbm>>) target(%arg9 : memref<128x128xf32, #tpu.memory_space<vmem>>) offsets(%dma_start3A_199 : memref<128xi32, #tpu.memory_space<vmem>>) semaphore(%arg12 : memref<!tpu.dma_semaphore, #tpu.memory_space<semaphore_mem>>)
        } else {
        }
        %dma_wait3A_176 = arith.constant 0 : i32
        %dma_wait3A_177 = arith.constant 0 : i32
        %dma_wait3A_178 = tpu.memref_slice %arg2[%dma_wait3A_176, %dma_wait3A_177] : memref<10000x128xf32, #tpu.memory_space<hbm>> -> memref<128x128xf32, #tpu.memory_space<hbm>>
        %dma_wait3A_179 = arith.constant 0 : i32
        %dma_wait3A_180 = arith.constant 0 : i32
        %dma_wait3A_181 = tpu.memref_slice %arg2[%dma_wait3A_179, %dma_wait3A_180] : memref<10000x128xf32, #tpu.memory_space<hbm>> -> memref<128x128xf32, #tpu.memory_space<hbm>>
        tpu.wait_dma2 semaphore(%arg13 : memref<!tpu.dma_semaphore, #tpu.memory_space<semaphore_mem>>) src(%dma_wait3A_181 : memref<128x128xf32, #tpu.memory_space<hbm>>) dst(%arg10 : memref<128x128xf32, #tpu.memory_space<vmem>>)
        %run_scoped3A_182 = arith.constant 1 : i32
        "tpu.region"() ({
          %run_scoped3A_190 = tpu.sem_alloc : memref<!tpu.dma_semaphore, #tpu.memory_space<semaphore_mem>>
          %dma_start3A_191 = arith.constant 0 : i32
          %dma_start3A_192 = tpu.memref_slice %arg8[%run_scoped3A_182, %dma_start3A_191] : memref<2x128xi32, #tpu.memory_space<vmem>> -> memref<1x128xi32, #tpu.memory_space<vmem>>
          %dma_start3A_193 = tpu.memref_squeeze %dma_start3A_192 : memref<1x128xi32, #tpu.memory_space<vmem>> -> memref<128xi32, #tpu.memory_space<vmem>>
          %dma_start3A_194 = arith.constant 0 : i32
          %dma_start3A_195 = arith.constant 0 : i32
          %dma_start3A_196 = tpu.memref_slice %arg11[%dma_start3A_194, %dma_start3A_195] : memref<10112x128xf32, #tpu.memory_space<vmem_shared>> -> memref<10112x128xf32, #tpu.memory_space<vmem_shared>>
          tpu.enqueue_indirect_dma source(%arg10 : memref<128x128xf32, #tpu.memory_space<vmem>>) target(%dma_start3A_196 : memref<10112x128xf32, #tpu.memory_space<vmem_shared>>) offsets(%dma_start3A_193 : memref<128xi32, #tpu.memory_space<vmem>>) semaphore(%run_scoped3A_190 : memref<!tpu.dma_semaphore, #tpu.memory_space<semaphore_mem>>) {add = true}
          %dma_wait3A_197 = arith.constant 0 : i32
          %dma_wait3A_198 = tpu.memref_slice %arg8[%run_scoped3A_182, %dma_wait3A_197] : memref<2x128xi32, #tpu.memory_space<vmem>> -> memref<1x128xi32, #tpu.memory_space<vmem>>
          %dma_wait3A_199 = tpu.memref_squeeze %dma_wait3A_198 : memref<1x128xi32, #tpu.memory_space<vmem>> -> memref<128xi32, #tpu.memory_space<vmem>>
          %dma_wait3A_200 = arith.constant 0 : i32
          %dma_wait3A_201 = arith.constant 0 : i32
          %dma_wait3A_202 = tpu.memref_slice %arg11[%dma_wait3A_200, %dma_wait3A_201] : memref<10112x128xf32, #tpu.memory_space<vmem_shared>> -> memref<10112x128xf32, #tpu.memory_space<vmem_shared>>
          tpu.wait_indirect_dma semaphore(%run_scoped3A_190 : memref<!tpu.dma_semaphore, #tpu.memory_space<semaphore_mem>>) src(%arg10 : memref<128x128xf32, #tpu.memory_space<vmem>>) dst(%dma_wait3A_202 : memref<10112x128xf32, #tpu.memory_space<vmem_shared>>)
          tpu.yield
        }) : () -> ()
        %add3A_183 = arith.constant 4 : i32
        %add3A_184 = arith.addi %add3A_168, %add3A_183 : i32
        %lt3A_185 = arith.constant 20 : i32
        %lt3A_186 = arith.cmpi slt, %add3A_184, %lt3A_185 : i32
        %convert_element_type3A_187 = arith.extui %lt3A_186 : i1 to i32
        %cond3A_188 = arith.constant 0 : i32
        %cond3A_189 = arith.cmpi ne, %convert_element_type3A_187, %cond3A_188 : i32
        scf.if %cond3A_189 {
          %add3A_190 = arith.constant 4 : i32
          %add3A_191 = arith.addi %add3A_168, %add3A_190 : i32
          %add3A_192 = arith.addi %mul3A_29, %add3A_191 : i32
          %mul3A_193 = arith.constant 128 : i32
          %mul3A_194 = arith.muli %add3A_192, %mul3A_193 : i32
          %dma_start3A_195 = arith.constant 0 : i32
          %dma_start3A_196 = tpu.memref_slice %arg3[%dma_start3A_195, %mul3A_194] : memref<2x320000xi32, #tpu.memory_space<hbm>> -> memref<2x128xi32, #tpu.memory_space<hbm>>
          %dma_start3A_197 = arith.constant 0 : i32
          %dma_start3A_198 = tpu.memref_slice %arg3[%dma_start3A_197, %mul3A_194] : memref<2x320000xi32, #tpu.memory_space<hbm>> -> memref<2x128xi32, #tpu.memory_space<hbm>>
          tpu.enqueue_dma source(%dma_start3A_198 : memref<2x128xi32, #tpu.memory_space<hbm>>) target(%arg8 : memref<2x128xi32, #tpu.memory_space<vmem>>) target_semaphore(%arg17 : memref<!tpu.dma_semaphore, #tpu.memory_space<semaphore_mem>>)
        } else {
        }
      }
      %scan3A_95 = arith.constant 5 : i32
    } else {
    }
    %barrier3A_36 = arith.constant 0 : index
    tpu.barrier barrier_id(%barrier3A_36)
    %lt3A_37 = arith.constant 15 : i32
    %lt3A_38 = arith.cmpi slt, %arg1, %lt3A_37 : i32
    %convert_element_type3A_39 = arith.extui %lt3A_38 : i1 to i32
    %cond3A_40 = arith.constant 0 : i32
    %cond3A_41 = arith.cmpi ne, %convert_element_type3A_39, %cond3A_40 : i32
    scf.if %cond3A_41 {
      %mul3A_47 = arith.constant 632 : i32
      %mul3A_48 = arith.muli %arg1, %mul3A_47 : i32
      %mul3A_49 = arith.constant 632 : i32
      %mul3A_50 = arith.muli %arg1, %mul3A_49 : i32
      "tpu.region"() ({
        %run_scoped3A = tpu.sem_alloc : memref<!tpu.dma_semaphore, #tpu.memory_space<semaphore_mem>>
        %dma_start3A = arith.constant 0 : i32
        %dma_start3A_51 = tpu.memref_slice %arg4[%arg0, %mul3A_50, %dma_start3A] : memref<2x10000x128xf32, #tpu.memory_space<hbm>> -> memref<1x632x128xf32, #tpu.memory_space<hbm>>
        %dma_start3A_52 = tpu.memref_squeeze %dma_start3A_51 : memref<1x632x128xf32, #tpu.memory_space<hbm>> -> memref<632x128xf32, #tpu.memory_space<hbm>>
        %dma_start3A_53 = arith.constant 0 : i32
        %dma_start3A_54 = tpu.memref_slice %arg11[%mul3A_48, %dma_start3A_53] : memref<10112x128xf32, #tpu.memory_space<vmem_shared>> -> memref<632x128xf32, #tpu.memory_space<vmem_shared>>
        tpu.enqueue_dma source(%dma_start3A_54 : memref<632x128xf32, #tpu.memory_space<vmem_shared>>) target(%dma_start3A_52 : memref<632x128xf32, #tpu.memory_space<hbm>>) target_semaphore(%run_scoped3A : memref<!tpu.dma_semaphore, #tpu.memory_space<semaphore_mem>>)
        %dma_wait3A = arith.constant 0 : i32
        %dma_wait3A_55 = tpu.memref_slice %arg4[%arg0, %mul3A_50, %dma_wait3A] : memref<2x10000x128xf32, #tpu.memory_space<hbm>> -> memref<1x632x128xf32, #tpu.memory_space<hbm>>
        %dma_wait3A_56 = tpu.memref_squeeze %dma_wait3A_55 : memref<1x632x128xf32, #tpu.memory_space<hbm>> -> memref<632x128xf32, #tpu.memory_space<hbm>>
        %dma_wait3A_57 = arith.constant 0 : i32
        %dma_wait3A_58 = tpu.memref_slice %arg11[%mul3A_48, %dma_wait3A_57] : memref<10112x128xf32, #tpu.memory_space<vmem_shared>> -> memref<632x128xf32, #tpu.memory_space<vmem_shared>>
        tpu.wait_dma2 semaphore(%run_scoped3A : memref<!tpu.dma_semaphore, #tpu.memory_space<semaphore_mem>>) src(%dma_wait3A_58 : memref<632x128xf32, #tpu.memory_space<vmem_shared>>) dst(%dma_wait3A_56 : memref<632x128xf32, #tpu.memory_space<hbm>>)
        tpu.yield
      }) : () -> ()
    } else {
    }
    %eq3A_42 = arith.constant 15 : i32
    %eq3A_43 = arith.cmpi eq, %arg1, %eq3A_42 : i32
    %convert_element_type3A_44 = arith.extui %eq3A_43 : i1 to i32
    %cond3A_45 = arith.constant 0 : i32
    %cond3A_46 = arith.cmpi ne, %convert_element_type3A_44, %cond3A_45 : i32
    scf.if %cond3A_46 {
      "tpu.region"() ({
        %run_scoped3A = tpu.sem_alloc : memref<!tpu.dma_semaphore, #tpu.memory_space<semaphore_mem>>
        %dma_start3A = arith.constant 9480 : i32
        %dma_start3A_47 = arith.constant 0 : i32
        %dma_start3A_48 = tpu.memref_slice %arg4[%arg0, %dma_start3A, %dma_start3A_47] : memref<2x10000x128xf32, #tpu.memory_space<hbm>> -> memref<1x520x128xf32, #tpu.memory_space<hbm>>
        %dma_start3A_49 = tpu.memref_squeeze %dma_start3A_48 : memref<1x520x128xf32, #tpu.memory_space<hbm>> -> memref<520x128xf32, #tpu.memory_space<hbm>>
        %dma_start3A_50 = arith.constant 9480 : i32
        %dma_start3A_51 = arith.constant 0 : i32
        %dma_start3A_52 = tpu.memref_slice %arg11[%dma_start3A_50, %dma_start3A_51] : memref<10112x128xf32, #tpu.memory_space<vmem_shared>> -> memref<520x128xf32, #tpu.memory_space<vmem_shared>>
        tpu.enqueue_dma source(%dma_start3A_52 : memref<520x128xf32, #tpu.memory_space<vmem_shared>>) target(%dma_start3A_49 : memref<520x128xf32, #tpu.memory_space<hbm>>) target_semaphore(%run_scoped3A : memref<!tpu.dma_semaphore, #tpu.memory_space<semaphore_mem>>)
        %dma_wait3A = arith.constant 9480 : i32
        %dma_wait3A_53 = arith.constant 0 : i32
        %dma_wait3A_54 = tpu.memref_slice %arg4[%arg0, %dma_wait3A, %dma_wait3A_53] : memref<2x10000x128xf32, #tpu.memory_space<hbm>> -> memref<1x520x128xf32, #tpu.memory_space<hbm>>
        %dma_wait3A_55 = tpu.memref_squeeze %dma_wait3A_54 : memref<1x520x128xf32, #tpu.memory_space<hbm>> -> memref<520x128xf32, #tpu.memory_space<hbm>>
        %dma_wait3A_56 = arith.constant 9480 : i32
        %dma_wait3A_57 = arith.constant 0 : i32
        %dma_wait3A_58 = tpu.memref_slice %arg11[%dma_wait3A_56, %dma_wait3A_57] : memref<10112x128xf32, #tpu.memory_space<vmem_shared>> -> memref<520x128xf32, #tpu.memory_space<vmem_shared>>
        tpu.wait_dma2 semaphore(%run_scoped3A : memref<!tpu.dma_semaphore, #tpu.memory_space<semaphore_mem>>) src(%dma_wait3A_58 : memref<520x128xf32, #tpu.memory_space<vmem_shared>>) dst(%dma_wait3A_55 : memref<520x128xf32, #tpu.memory_space<hbm>>)
        tpu.yield
      }) : () -> ()
    } else {
    }
    return
  }
}

module attributes {stable_mosaic.version = 14 : i64} {
  func.func @_tc_body(%arg0: i32, %arg1: memref<2x5000x128xf32, #tpu.memory_space<vmem>>, %arg2: memref<128x128xf32, #tpu.memory_space<vmem>>, %arg3: memref<1x128xf32, #tpu.memory_space<vmem>>, %arg4: memref<5000x128xf32, #tpu.memory_space<vmem>>) attributes {dimension_semantics = [#tpu.dimension_semantics<arbitrary>], iteration_bounds = array<i64: 2>, scalar_prefetch = 0 : i64, scratch_operands = 0 : i64, tpu.core_type = #tpu.core_type<tc>, window_params = [{transform_indices = @transform_0, window_bounds = array<i64: 2, 5000, 128>}, {pipeline_mode = #tpu.pipeline_mode<synchronous>, transform_indices = @transform_1, window_bounds = array<i64: 128, 128>}, {pipeline_mode = #tpu.pipeline_mode<synchronous>, transform_indices = @transform_2, window_bounds = array<i64: 1, 128>}, {transform_indices = @transform_3, window_bounds = array<i64: 5000, 128>}]} {
    %get3A = arith.constant 0 : index
    %get3A_0 = arith.constant 0 : index
    %get3A_1 = arith.constant 0 : index
    %get3A_2 = vector.load %arg1[%get3A, %get3A_0, %get3A_1] : memref<2x5000x128xf32, #tpu.memory_space<vmem>>, vector<1x5000x128xf32>
    %get3A_3 = vector.shape_cast %get3A_2 : vector<1x5000x128xf32> to vector<5000x128xf32>
    %get3A_4 = arith.constant 1 : index
    %get3A_5 = arith.constant 0 : index
    %get3A_6 = arith.constant 0 : index
    %get3A_7 = vector.load %arg1[%get3A_4, %get3A_5, %get3A_6] : memref<2x5000x128xf32, #tpu.memory_space<vmem>>, vector<1x5000x128xf32>
    %get3A_8 = vector.shape_cast %get3A_7 : vector<1x5000x128xf32> to vector<5000x128xf32>
    %add3A = arith.addf %get3A_3, %get3A_8 : vector<5000x128xf32>
    %get3A_9 = arith.constant 0 : index
    %get3A_10 = arith.constant 0 : index
    %get3A_11 = vector.load %arg2[%get3A_9, %get3A_10] : memref<128x128xf32, #tpu.memory_space<vmem>>, vector<128x128xf32>
    %dot_general3A = arith.constant dense<0.000000e+00> : vector<5000x128xf32>
    %dot_general3A_12 = tpu.matmul %add3A, %get3A_11, %dot_general3A {dimension_numbers = #tpu.dot_dimension_numbers<[1], [1], [0], [0], [0, 0, 1, 0], [], []>, transpose_lhs_hint = false} : vector<5000x128xf32>, vector<128x128xf32>, vector<5000x128xf32> -> vector<5000x128xf32>
    %get3A_13 = arith.constant 0 : index
    %get3A_14 = arith.constant 0 : index
    %get3A_15 = vector.load %arg3[%get3A_13, %get3A_14] : memref<1x128xf32, #tpu.memory_space<vmem>>, vector<1x128xf32>
    %add3A_16 = vector.broadcast %get3A_15 : vector<1x128xf32> to vector<5000x128xf32>
    %add3A_17 = arith.addf %dot_general3A_12, %add3A_16 : vector<5000x128xf32>
    %max3A = arith.constant 0.000000e+00 : f32
    %max3A_18 = vector.broadcast %max3A : f32 to vector<5000x128xf32>
    %max3A_19 = arith.maximumf %add3A_17, %max3A_18 : vector<5000x128xf32>
    %swap3A = arith.constant 0 : index
    %swap3A_20 = arith.constant 0 : index
    %swap3A_21 = vector.load %arg4[%swap3A, %swap3A_20] : memref<5000x128xf32, #tpu.memory_space<vmem>>, vector<5000x128xf32>
    tpu.vector_store %arg4[%swap3A, %swap3A_20], %max3A_19 {strides = array<i32>} : memref<5000x128xf32, #tpu.memory_space<vmem>>, vector<5000x128xf32>,
    return
  }
  func.func @transform_0(%arg0: i32) -> (i32, i32, i32) {
    %c0_i32 = arith.constant 0 : i32
    %c0_i32_0 = arith.constant 0 : i32
    %c0_i32_1 = arith.constant 0 : i32
    return %c0_i32, %arg0, %c0_i32_0 : i32, i32, i32
  }
  func.func @transform_1(%arg0: i32) -> (i32, i32) {
    %c0_i32 = arith.constant 0 : i32
    %c0_i32_0 = arith.constant 0 : i32
    %c0_i32_1 = arith.constant 0 : i32
    return %c0_i32, %c0_i32_0 : i32, i32
  }
  func.func @transform_2(%arg0: i32) -> (i32, i32) {
    %c0_i32 = arith.constant 0 : i32
    %c0_i32_0 = arith.constant 0 : i32
    %c0_i32_1 = arith.constant 0 : i32
    return %c0_i32, %c0_i32_0 : i32, i32
  }
  func.func @transform_3(%arg0: i32) -> (i32, i32) {
    %c0_i32 = arith.constant 0 : i32
    %c0_i32_0 = arith.constant 0 : i32
    return %arg0, %c0_i32 : i32, i32
  }
}

</mosaic_0001>

<sc_bundles>
// kernel: kernel.4.cloned.1.call-start
scs
__scs_entry_jumppad:
0x0: {  	(pc) =	sbr.rel $0x88, $3  }
0x1: {  	(tag) =	ssettag $0x0;
	lr =	simm.s32 $0x1  }
0x2: {  	[smem:$0x3F9D] =	sst lr;
	_ =	strace $0xD0000000  }
0x3: {  	_ = 	snop  }
0x4: {  	_ = 	snop  }
0x5: {  	_ = 	snop  }
0x6: {  	_ = 	snop  }
0x7: {  	_ = 	snop  }
__scs_overlays_trampoline_lowered:
0x8: {  	[smem:$0x3FAC] =	sst s0  }
0x9: {  	[smem:$0x3FAD] =	sst s1  }
0xa: {  	[smem:$0x3FAE] =	sst s2  }
0xb: {  	[smem:$0x3FAF] =	sst s3  }
0xc: {  	[smem:$0x3FB0] =	sst s4  }
0xd: {  	[smem:$0x3FB1] =	sst s5  }
0xe: {  	[smem:$0x3FB2] =	sst s6  }
0xf: {  	[smem:$0x3FB3] =	sst s7  }
0x10: {  	[smem:$0x3FB4] =	sst s8  }
0x11: {  	[smem:$0x3FB5] =	sst s9;
	s0 =	simm.s32 @!p0 $0x0  }
0x12: {  	s1 =	sld [smem:$0x3F9B];
	s0 =	simm.s32 @p0 $0x1  }
0x13: {  	[smem:$0x3FB6] =	sst s0;
	s0 =	simm.s32 @!p1 $0x0  }
0x14: {  	s2 =	sld [smem:$0x3F9A];
	s0 =	simm.s32 @p1 $0x1  }
0x15: {  	[smem:$0x3FB7] =	sst s0;
	s0 =	simm.s32 @!p2 $0x0  }
0x16: {  	s3 =	sld [smem:$0x3FDB];
	s0 =	simm.s32 @p2 $0x1  }
0x17: {  	s4 =	simm.s32 $0x1BF5;
	[smem:$0x3FB9] =	sst s0  }
0x18: {  	s0 =	sld [smem:$0x3F9C];
	_ =	swait.ge [sflag:s4], $0x0  }
0x19: {  	s7 =	sld [smem:$0x3F9D]  }
0x1a: {  	s8 =	sadd.s32 $0xFFFFE003, lr  }
0x1b: {  	s9 =	sadd.s32 $0xFFFFFEF7, lr;
	s5 =	simm.s32 $0xFFFFFFFF;
	p2 =	slt.u32 s8, $0xFFFFF086  }
0x1c: {  	p1 =	slt.u32 s9, $0xF7A;
	s5 =	simm.s32 @!p2 $0x0  }
0x1d: {  	s5 =	simm.s32 @p1 $0x1;
	p0 =	seq.s32 s7, s2  }
0x1e: {  	s7 =	smul.u32 @!p0 $0xF7A, s2;
	p2 =	seq.s32 @!p0 s5, $0x0  }
0x1f: {  	s9 =	smul.u32 $0xF7A, s1;
	s8 =	simm.s32 @!p0 $0x1BF5;
	p2 =	por !p2, p0  }
0x20: {  	[sflag:s8] =	ssyncset.s32 @!p0 $0xFFFFF086;
	s6 =	sadd.s32 @!p0 s3, s7;
	s7 =	simm.s32 @!p0 $0x108  }
0x21: {  	s3 =	sadd.s32 s3, s9;
	s6 =	sadd.s32 @!p0 $0x88, s6;
	s7 =	simm.s32 @p2 $0x1082  }
0x22: {  	[simem:s7], [sflag:s8] =	dma.local @!p0 [hbm:s6], $0xF7A  }
0x23: {  	s9 =	sor.u32 $0xD0000000, s2;
	s6 =	simm.s32 $0x108;
	_ =	swait.ge @!p0 [sflag:s8], $0x0  }
0x24: {  	s3 =	sadd.s32 $0x88, s3;
	s6 =	simm.s32 @!p1 $0x1082;
	[sflag:s4] =	ssyncset.s32 $0xFFFFF086  }
0x25: {  	[simem:s6], [sflag:s4] =	dma.local [hbm:s3], $0xF7A  }
0x26: {  	[smem:$0x3F9D] =	sst s1;
	(tag) =	ssettag s2;
	_ =	strace s9  }
0x27: {  	s1 =	sld [smem:$0x3FAD]  }
0x28: {  	s2 =	sld [smem:$0x3FAE]  }
0x29: {  	s4 =	sld [smem:$0x3FB0]  }
0x2a: {  	p0 =	seq.s32 s5, $0x0;
	s5 =	sld [smem:$0x3FB1]  }
0x2b: {  	s6 =	sld [smem:$0x3FB2]  }
0x2c: {  	s7 =	sld [smem:$0x3FB3]  }
0x2d: {  	s3 =	simm.s32 $0x108;
	s8 =	sld [smem:$0x3FB4]  }
0x2e: {  	s3 =	simm.s32 @!p0 $0x1082;
	s9 =	sld [smem:$0x3FB5]  }
0x2f: {  	lr =	sadd.s32 s0, s3;
	s0 =	sld [smem:$0x3FAC]  }
0x30: {  	s3 =	sld [smem:$0x3FAF]  }
0x31: {  	[smem:$0x3FB8] =	sst s10  }
0x32: {  	s10 =	sld [smem:$0x3FB6];
	_ =	sdelay $0x3  }
0x33: {  	p0 =	seq.s32 s10, $0x1;
	s10 =	sld [smem:$0x3FB8];
	_ =	sdelay $0x3  }
0x34: {  	[smem:$0x3FB8] =	sst s10  }
0x35: {  	s10 =	sld [smem:$0x3FB7];
	_ =	sdelay $0x3  }
0x36: {  	p1 =	seq.s32 s10, $0x1;
	s10 =	sld [smem:$0x3FB8];
	_ =	sdelay $0x3  }
0x37: {  	[smem:$0x3FB8] =	sst s10  }
0x38: {  	s10 =	sld [smem:$0x3FB9]  }
0x39: {  	_ = 	snop;
	(pc) =	sbr.ind lr, $3  }
0x3a: {  	_ = 	snop  }
0x3b: {  	_ = 	snop  }
0x3c: {  	p2 =	seq.s32 s10, $0x1;
	s10 =	sld [smem:$0x3FB8]  }
0x3d: {  	_ =	shalt  }
0x3e: {  	_ =	shalt  }
0x3f: {  	_ =	shalt  }
0x40: {  	_ =	shalt  }
0x41: {  	_ =	shalt  }
0x42: {  	_ =	shalt  }
0x43: {  	_ =	shalt  }
0x44: {  	_ =	shalt  }
0x45: {  	_ =	shalt  }
0x46: {  	_ =	shalt  }
0x47: {  	_ =	shalt  }
0x48: {  	_ =	shalt  }
0x49: {  	_ =	shalt  }
0x4a: {  	_ =	shalt  }
0x4b: {  	_ =	shalt  }
0x4c: {  	_ =	shalt  }
0x4d: {  	_ =	shalt  }
0x4e: {  	_ =	shalt  }
0x4f: {  	_ =	shalt  }
0x50: {  	_ =	shalt  }
0x51: {  	_ =	shalt  }
0x52: {  	_ =	shalt  }
0x53: {  	_ =	shalt  }
0x54: {  	_ =	shalt  }
0x55: {  	_ =	shalt  }
0x56: {  	_ =	shalt  }
0x57: {  	_ =	shalt  }
0x58: {  	_ =	shalt  }
0x59: {  	_ =	shalt  }
0x5a: {  	_ =	shalt  }
0x5b: {  	_ =	shalt  }
0x5c: {  	_ =	shalt  }
0x5d: {  	_ =	shalt  }
0x5e: {  	_ =	shalt  }
0x5f: {  	_ =	shalt  }
0x60: {  	_ =	shalt  }
0x61: {  	_ =	shalt  }
0x62: {  	_ =	shalt  }
0x63: {  	_ =	shalt  }
0x64: {  	_ =	shalt  }
0x65: {  	_ =	shalt  }
0x66: {  	_ =	shalt  }
0x67: {  	_ =	shalt  }
0x68: {  	_ =	shalt  }
0x69: {  	_ =	shalt  }
0x6a: {  	_ =	shalt  }
0x6b: {  	_ =	shalt  }
0x6c: {  	_ =	shalt  }
0x6d: {  	_ =	shalt  }
0x6e: {  	_ =	shalt  }
0x6f: {  	_ =	shalt  }
0x70: {  	_ =	shalt  }
0x71: {  	_ =	shalt  }
0x72: {  	_ =	shalt  }
0x73: {  	_ =	shalt  }
0x74: {  	_ =	shalt  }
0x75: {  	_ =	shalt  }
0x76: {  	_ =	shalt  }
0x77: {  	_ =	shalt  }
0x78: {  	_ =	shalt  }
0x79: {  	_ =	shalt  }
0x7a: {  	_ =	shalt  }
0x7b: {  	_ =	shalt  }
0x7c: {  	_ =	shalt  }
0x7d: {  	_ =	shalt  }
0x7e: {  	_ =	shalt  }
0x7f: {  	_ =	shalt  }
0x80: {  	_ =	shalt  }
0x81: {  	_ =	shalt  }
0x82: {  	_ =	shalt  }
0x83: {  	_ =	shalt  }
0x84: {  	_ =	shalt  }
0x85: {  	_ =	shalt  }
0x86: {  	_ =	shalt  }
0x87: {  	_ =	shalt  }
.Lfunc_end0:
.L_simem_size_0:
called_computation_lowered:
.L_overlay_start_0:
0x88: {  	s2 =	sld [smem:$0x3FD9]  }
0x89: {  	s3 =	sld [smem:$0x3FFE];
	_ =	sdelay $0x1  }
0x8a: {  	s1 =	srdreg.scid  }
0x8b: {  	s0 =	sand.u32 $0x1, s1  }
0x8c: {  	s17 =	sshll.u32 s0, $0xA;
	s2 =	sadd.s32 s3, s2  }
0x8d: {  	s2 =	sadd.s32 s2, s17  }
0x8e: {  	[smem:$0x3FC4] =	sst s2  }
0x8f: {  	_ = 	snop  }
0x90: {  	s2 =	sld [smem:$0x3FC9]  }
0x91: {  	s18 =	sld [smem:$0x3FC8];
	(tm) =	ssettm $0x1  }
0x92: {  	s4 =	sld [smem:$0x3FFB];
	_ =	sdelay $0x3  }
0x93: {  	_ =	strace s4  }
0x94: {  	s4 =	sld [smem:$0x3FFC];
	_ =	sdelay $0x3  }
0x95: {  	_ =	strace s4  }
0x96: {  	s4 =	sld [smem:$0x3FFD];
	_ =	sdelay $0x3  }
0x97: {  	_ =	strace s4  }
0x98: {  	_ =	strace $0x8FFFFFFF  }
0x99: {  	s19 =	sld [smem:$0x3FDB];
	_ =	sdelay $0x1  }
0x9a: {  	s5 =	simm.s32 $_scs_section_size  }
0x9b: {  	s6 =	simm.s32 $_size__tile_overlayer_lowered;
	s7 =	simm.s32 $_tile_overlayer_lowered  }
0x9c: {  	s22 =	simm.s32 $0x1BFF;
	s21 =	sshll.u32 s7, $0x1;
	s4 =	sadd.s32 s5, s19  }
0x9d: {  	s8 =	simm.s32 $0x0;
	s20 =	sshll.u32 s6, $0x1;
	s6 =	sadd.s32 s21, s4  }
0x9e: {  	[timem:s8], [sflag:s22] =	dma.local [hbm:s6], s20  }
0x9f: {  	_ =	swait.ge [sflag:s22], s20  }
0xa0: {  	s5 =	ssub.s32 $0x0, s20;
	[sflag:s22] =	ssyncset.done $0x0  }
0xa1: {  	[sflag:s22] =	ssyncadd.s32 s5;
	_ =	sdelay $0x1  }
0xa2: {  	s23 =	simm.s32 $0x1B8B  }
0xa3: {  	_ =	swait.ge [sflag:s23], $0x1  }
0xa4: {  	[sflag:s23] =	ssyncset.done $0x0  }
0xa5: {  	s25 =	simm.s32 $0x1B8E;
	s24 =	sld [smem:$0x3FFE];
	[sflag:s23] =	ssyncadd.s32 $0xFFFFFFFF  }
0xa6: {  	s26 =	simm.s32 $execute0_lowered;
	[smem:$0x3FD2] =	sst s25  }
0xa7: {  	s6 =	sshll.u32 s26, $0x1;
	_ =	strace $0x80000046;
	[dreg:$0x1] =	wrdreg $0xFFFFFFFF  }
0xa8: {  	s28 =	simm.s32 $_size_execute0_lowered;
	s4 =	sadd.s32 s4, s6;
	[dreg:$0x0] =	wrdreg $0x0  }
0xa9: {  	s6 =	sshll.u32 s28, $0x1;
	[dreg:$0x2] =	wrdreg s4  }
0xaa: {  	[dreg:$0x3] =	wrdreg s6  }
0xab: {  	[dreg:$0x4] =	wrdreg $0xC0  }
0xac: {  	_ =	task [dreg:s8], $0x5FFFF  }
0xad: {  	[dreg:$0x1] =	wrdreg $0xFFFFFFFF  }
0xae: {  	[dreg:$0x0] =	wrdreg $0x60  }
0xaf: {  	[dreg:$0x2] =	wrdreg s2  }
0xb0: {  	[dreg:$0x3] =	wrdreg s18  }
0xb1: {  	[dreg:$0x4] =	wrdreg s24  }
0xb2: {  	[dreg:$0x5] =	wrdreg $0x84000  }
0xb3: {  	[dreg:$0x6] =	wrdreg $0x9  }
0xb4: {  	_ =	task.clear_ibuf [dreg:s8], $0x7FFFF;
	_ =	strace $0x90000046  }
0xb5: {  	s29 =	simm.s32 $0x9;
	_ =	strace $0x80000048  }
0xb6: {  	_ =	swait.ge [sflag:s29], $0x1  }
0xb7: {  	[sflag:s29] =	ssyncadd.s32 $0xFFFFFFFF  }
0xb8: {  	_ =	strace $0x90000048  }
0xb9: {  	_ =	sfence  }
0xba: {  	s30 =	sld [smem:$0x0];
	_ =	sdelay $0x2  }
0xbb: {  	s31 =	sshll.u32 s1, $0xD;
	s1 =	sshrl.u32 s1, $0x2  }
0xbc: {  	s3 =	sand.u32 $0x4000, s31;
	s1 =	sadd.s32 s1, s30  }
0xbd: {  	s0 =	sor.u32 s3, s0;
	s1 =	sshll.u32 s1, $0x11  }
0xbe: {  	s0 =	sor.u32 s1, s0  }
0xbf: {  	s0 =	sadd.s32 $0x8F2B, s0  }
0xc0: {  	[sflag:s0] =	ssyncadd.remote.s32 $0x1  }
0xc1: {  	_ =	sfence.sel $0xFFFF  }
0xc2: {  	[dreg:$0x0] =	wrdreg $0xFFFFFFFF;
	(pc) =	sbr.abs _section_cstart, $3  }
0xc3: {  	[dreg:$0x1] =	wrdreg $0xFFFFFFFF  }
0xc4: {  	_ =	task.clear_ibuf [dreg:s8], $0x2FFFF;
	_ =	strace $0x9FFFFFFF  }
0xc5: {  	(tm) =	ssettm $0x7FFFFFFF  }
tec
execute0_lowered:
.L_overlay_start_1:
0x0: {  	(tag) =	ssettag $0x1  }
0x1: {  	s1 =	rddreg [dreg:$0x0]  }
0x2: {  	s2 =	rddreg [dreg:$0x1]  }
0x3: {  	s0 =	rddreg [dreg:$0x2]  }
0x4: {  	s4 =	rddreg [dreg:$0x3]  }
0x5: {  	s5 =	simm.s32 $0x0;
	s3 =	srdreg.scid;
	s11 =	stileid.u32  }
0x6: {  	s28 =	simm.s32 $0x3;
	s29 =	simm.s32 $0x80;
	s30 =	simm.s32 $0x200  }
0x7: {  	s31 =	simm.s32 $0x300;
	s13 =	simm.s32 $0x1;
	[smem:$0x7FF] =	sst s5  }
0x8: {  	s3 =	sand.u32 $0x1, s3;
	s6 =	smul.u32 $0x4F000, s11;
	s0 =	sadd.s32 $0xA00, s0  }
0x9: {  	s21 =	smul.u32 $0x13C00, s11;
	s22 =	sadd.s32 $0x13600, s2;
	s23 =	sadd.s32 $0x13620, s2  }
0xa: {  	s24 =	sadd.s32 $0x13640, s2;
	_ =	strace $0x80000047;
	[dreg:$0xd] =	wrdreg s22  }
0xb: {  	s25 =	sadd.s32 $0x13660, s2;
	s26 =	smul.u32 $0xA00, s11;
	[dreg:$0xe] =	wrdreg s23  }
0xc: {  	p1 =	seq.s32 s11, $0xF;
	s7 =	sshll.u32 s3, $0x4;
	[dreg:$0xf] =	wrdreg s24  }
0xd: {  	s8 =	ssub.s32 $0x2, s3;
	s20 =	smul.u32 $0x138800, s3;
	[dreg:$0x10] =	wrdreg s25  }
0xe: {  	s3 =	smul.u32 $0xA000, s3;
	s23 =	simm.s32 $0x400;
	s24 =	simm.s32 $0x7  }
0xf: {  	s7 =	sor.u32 s11, s7;
	s6 =	sshrl.u32 s6, $0x2;
	s9 =	sshrl.u32 s8, $0x1  }
0x10: {  	s6 =	sadd.s32 s6, s4;
	s10 =	smul.u32 $0xA00, s7;
	s8 =	ssub.s32 s8, s9  }
0x11: {  	s3 =	sadd.s32 s3, s2;
	p0 =	seq.s32 s7, $0x1F;
	s14 =	sadd.s32 $0x4000, s6  }
0x12: {  	s15 =	sadd.s32 $0x8000, s6;
	s16 =	sadd.s32 $0xC000, s6;
	[dreg:$0x5] =	wrdreg s14  }
0x13: {  	s18 =	sadd.s32 $0x10000, s6;
	s22 =	sadd.s32 s26, s3;
	[dreg:$0x6] =	wrdreg s15  }
0x14: {  	s26 =	simm.s32 $0x100;
	s3 =	simm.s32 $0x380;
	[dreg:$0x7] =	wrdreg s16  }
0x15: {  	s17 =	sadd.s32 s2, s10;
	[dreg:$0x9] =	wrdreg s18;
	s10 =	sshrl.u32 s20, $0x3  }
0x16: {  	s14 =	simm.s32 $0x5;
	s15 =	simm.s32 $0x2;
	s16 =	simm.s32 $0x180  }
0x17: {  	s18 =	simm.s32 $0x280;
	s19 =	sadd.s32 $0x20, s17;
	[dreg:$0x8] =	wrdreg s17  }
0x18: {  	s12 =	sadd.s32 $0x40, s17;
	s9 =	sadd.s32 $0x60, s17;
	[dreg:$0xa] =	wrdreg s19  }
.Ltmp0:
0x19: {  	s10 =	sadd.s32 s0, s10;
	[dreg:$0xb] =	wrdreg s12;
	(pc) =	sbr.rel .LBB2_1-.Ltmp0, $4  }
0x1a: {  	s17 =	simm.s32 $0x6;
	[dreg:$0xc] =	wrdreg s9;
	s12 =	sadd.s32 s21, s20  }
0x1b: {  	s20 =	sadd.s32 $0x25080, s10;
	s10 =	sadd.s32 $0x128400, s4;
	s21 =	smax.u32 s8, $0x1  }
0x1c: {  	s12 =	sshrl.u32 s12, $0x3;
	s25 =	sshrl.u32 @p1 s10, $0x3;
	s10 =	simm.s32 $0x0  }
0x1d: {  	v0 =	vimm.f32 $0.0e+00;
	s19 =	sadd.s32 s0, s12;
	s0 =	simm.s32 $0x4;
	s12 =	simm.s32 $0x4400  }
.LBB2_10:
0x1e: {  	_ =	swait.ge [sflag:s15], $0x4000  }
0x1f: {  	[sflag:s15] =	ssyncset.done $0x0  }
0x20: {  	[sflag:s15] =	ssyncadd.s32 $0xFFFFC000  }
0x21: {  	[spmem:s4] =	stream.indirect.scatter.add.f32 [tilespmem:s12], [sflag:$0x7], $0x80, s3, s29, $0xb8;
	[tilespmem:$0x1C000] =	vst v63  }
0x22: {  	_ =	swait.ge [sflag:s24], $0x4000  }
0x23: {  	[sflag:s24] =	ssyncset.done $0x0  }
0x24: {  	[sflag:s24] =	ssyncadd.s32 $0xFFFFC000  }
0x25: {  	s7 =	simm.s32 @p1 $0x1FC7;
	[bflag:$0x0] =	sbarrier.arrive $0xFFFF  }
0x26: {  	[hbm:s20], [sflag:s7] =	dma.local @p1 [spmem:s25], $0x2080  }
0x27: {  	s7 =	simm.s32 @p1 $0x7  }
0x28: {  	s8 =	stileid.u32;
	s10 =	sadd.s32 $0x1, s10;
	_ =	swait.ge @p1 [sflag:s7], $0x2080  }
0x29: {  	s8 =	sshll.u32 @!p1 s8, $0x6;
	p2 =	sne.s32 s10, s21;
	[sflag:s7] =	ssyncset.done @p1 $0x0  }
0x2a: {  	[sflag:s7] =	ssyncadd.s32 @p1 $0xFFFFDF80;
	s7 =	sor.u32 @!p1 $0x1C07, s8;
	s8 =	sshrl.u32 @!p1 s6, $0x3  }
0x2b: {  	[hbm:s19], [sflag:s7] =	dma.local @!p1 [spmem:s8], $0x2780  }
.Ltmp1:
0x2c: {  	_ = 	snop;
	(pc) =	sbr.rel @!p2 .LBB2_11-.Ltmp1, $4  }
0x2d: {  	s7 =	simm.s32 @!p1 $0x7  }
0x2e: {  	_ =	swait.ge @!p1 [sflag:s7], $0x2780  }
0x2f: {  	[sflag:s7] =	ssyncset.done @!p1 $0x0  }
0x30: {  	[sflag:s7] =	ssyncadd.s32 @!p1 $0xFFFFD880  }
.LBB2_1:
0x31: {  	s7 =	simm.s32 $0x0;
	s8 =	simm.s32 $0x200  }
.LBB2_2:
0x32: {  	p2 =	sne.s32 s8, $0xFE00;
	[tilespmem:s7+$0x470] =	vst v0  }
0x33: {  	[tilespmem:s7+$0x400] =	vst v0  }
0x34: {  	[tilespmem:s7+$0x410] =	vst v0  }
.Ltmp2:
0x35: {  	[tilespmem:s7+$0x420] =	vst v0;
	(pc) =	sbr.rel @p2 .LBB2_2-.Ltmp2, $4  }
0x36: {  	[tilespmem:s7+$0x430] =	vst v0  }
0x37: {  	[tilespmem:s7+$0x440] =	vst v0  }
0x38: {  	[tilespmem:s7+$0x450] =	vst v0  }
0x39: {  	[tilespmem:s7+$0x460] =	vst v0;
	s7 =	sshra.s32 s8, $0x2;
	s8 =	sadd.s32 $0x200, s8  }
0x3a: {  	[tilespmem:s7+$0x470] =	vst v0  }
0x3b: {  	[tilespmem:s7+$0x400] =	vst v0  }
0x3c: {  	[tilespmem:s7+$0x410] =	vst v0  }
0x3d: {  	[tilespmem:s7+$0x420] =	vst v0  }
0x3e: {  	[tilespmem:s7+$0x430] =	vst v0  }
0x3f: {  	[tilespmem:s7+$0x440] =	vst v0  }
0x40: {  	[tilespmem:s7+$0x450] =	vst v0  }
0x41: {  	[tilespmem:s7+$0x460] =	vst v0  }
0x42: {  	[spmem:s6] =	stream.linear.scatter [tilespmem:s23], [sflag:$0x7], $0x4000, $0x38;
	[tilespmem:$0x1C000] =	vst v63  }
0x43: {  	_ =	swait.ge [sflag:s24], $0x4000  }
0x44: {  	[sflag:s24] =	ssyncset.done $0x0  }
0x45: {  	s11 =	rddreg [dreg:$0x5];
	[sflag:s24] =	ssyncadd.s32 $0xFFFFC000  }
0x46: {  	[spmem:s11] =	stream.linear.scatter [tilespmem:s23], [sflag:$0x7], $0x4000, $0x38;
	[tilespmem:$0x1C000] =	vst v63  }
0x47: {  	_ =	swait.ge [sflag:s24], $0x4000  }
0x48: {  	[sflag:s24] =	ssyncset.done $0x0  }
0x49: {  	s8 =	rddreg [dreg:$0x6];
	[sflag:s24] =	ssyncadd.s32 $0xFFFFC000  }
0x4a: {  	[spmem:s8] =	stream.linear.scatter [tilespmem:s23], [sflag:$0x7], $0x4000, $0x38;
	[tilespmem:$0x1C000] =	vst v63  }
0x4b: {  	_ =	swait.ge [sflag:s24], $0x4000  }
0x4c: {  	[sflag:s24] =	ssyncset.done $0x0  }
0x4d: {  	s9 =	rddreg [dreg:$0x7];
	[sflag:s24] =	ssyncadd.s32 $0xFFFFC000  }
0x4e: {  	[spmem:s9] =	stream.linear.scatter [tilespmem:s23], [sflag:$0x7], $0x4000, $0x38;
	[tilespmem:$0x1C000] =	vst v63  }
0x4f: {  	_ =	swait.ge [sflag:s24], $0x4000  }
0x50: {  	[sflag:s24] =	ssyncset.done $0x0  }
0x51: {  	s11 =	rddreg [dreg:$0x9];
	[sflag:s24] =	ssyncadd.s32 $0xFFFFC000  }
0x52: {  	[spmem:s11] =	stream.linear.scatter [tilespmem:s23], [sflag:$0x7], $0x3C00, $0x38;
	[tilespmem:$0x1C000] =	vst v63  }
.Ltmp3:
0x53: {  	_ =	swait.ge [sflag:s24], $0x3C00;
	(pc) =	sbr.rel @!p0 .LBB2_4-.Ltmp3, $3  }
0x54: {  	[sflag:s24] =	ssyncset.done $0x0  }
0x55: {  	[sflag:s24] =	ssyncadd.s32 $0xFFFFC400  }
0x56: {  	[bflag:$0x0] =	sbarrier.arrive $0xFFFF;
	_ =	sdelay $0x1  }
0x57: {  	s7 =	rddreg [dreg:$0xd]  }
0x58: {  	[tilespmem:s5], [sflag:$0x3] =	stream.linear.gather [hbm4b:s7+s5], $0x100, $0x38;
	[tilespmem:$0x1C000] =	vst v63  }
0x59: {  	s8 =	rddreg [dreg:$0xe]  }
0x5a: {  	[tilespmem:s26], [sflag:$0x4] =	stream.linear.gather [hbm4b:s8+s5], $0x100, $0x38;
	[tilespmem:$0x1C000] =	vst v63  }
0x5b: {  	_ =	swait.ge [sflag:s28], $0x100  }
0x5c: {  	[sflag:s28] =	ssyncset.done $0x0  }
0x5d: {  	[sflag:s28] =	ssyncadd.s32 $0xFFFFFF00  }
0x5e: {  	[tilespmem:s23], [sflag:$0x1] =	stream.indirect.gather [hbm4b:s1+s29], $0x80, s5, s29, $0xb8;
	[tilespmem:$0x1C000] =	vst v63  }
0x5f: {  	s9 =	rddreg [dreg:$0xf]  }
0x60: {  	[tilespmem:s30], [sflag:$0x5] =	stream.linear.gather [hbm4b:s9+s5], $0x100, $0x38;
	[tilespmem:$0x1C000] =	vst v63  }
0x61: {  	s7 =	simm.s32 $0xFFFFFE00;
	s11 =	rddreg [dreg:$0x10]  }
0x62: {  	[tilespmem:s31], [sflag:$0x6] =	stream.linear.gather [hbm4b:s11+s5], $0x100, $0x38;
	[tilespmem:$0x1C000] =	vst v63  }
.LBB2_8:
0x63: {  	_ =	swait.ge [sflag:s0], $0x100  }
0x64: {  	[sflag:s0] =	ssyncset.done $0x0  }
0x65: {  	[sflag:s0] =	ssyncadd.s32 $0xFFFFFF00  }
0x66: {  	[tilespmem:s12], [sflag:$0x2] =	stream.indirect.gather [hbm4b:s1+s29], $0x80, s26, s29, $0xb8;
	[tilespmem:$0x1C000] =	vst v63  }
0x67: {  	_ =	swait.ge [sflag:s13], $0x4000  }
0x68: {  	[sflag:s13] =	ssyncset.done $0x0  }
0x69: {  	[sflag:s13] =	ssyncadd.s32 $0xFFFFC000  }
0x6a: {  	[spmem:s4] =	stream.indirect.scatter.add.f32 [tilespmem:s23], [sflag:$0x7], $0x80, s29, s29, $0xb8;
	[tilespmem:$0x1C000] =	vst v63  }
0x6b: {  	p2 =	seq.s32 s7, $0x0;
	_ =	swait.ge [sflag:s24], $0x4000  }
0x6c: {  	s8 =	sadd.s32 @!p2 s7, s2;
	[sflag:s24] =	ssyncset.done $0x0  }
0x6d: {  	s11 =	simm.s32 @!p2 $0x0;
	s9 =	sadd.s32 @!p2 $0x13880, s8;
	[sflag:s24] =	ssyncadd.s32 $0xFFFFC000  }
0x6e: {  	[tilespmem:s11], [sflag:$0x3] =	stream.linear.gather @!p2 [hbm4b:s9+s11], $0x100, $0x38;
	[tilespmem:$0x1C000] =	vst v63  }
0x6f: {  	_ =	swait.ge [sflag:s14], $0x100  }
0x70: {  	[sflag:s14] =	ssyncset.done $0x0  }
0x71: {  	[sflag:s14] =	ssyncadd.s32 $0xFFFFFF00  }
0x72: {  	[tilespmem:s23], [sflag:$0x1] =	stream.indirect.gather [hbm4b:s1+s29], $0x80, s30, s29, $0xb8;
	[tilespmem:$0x1C000] =	vst v63  }
0x73: {  	_ =	swait.ge [sflag:s15], $0x4000  }
0x74: {  	[sflag:s15] =	ssyncset.done $0x0  }
0x75: {  	[sflag:s15] =	ssyncadd.s32 $0xFFFFC000  }
0x76: {  	[spmem:s4] =	stream.indirect.scatter.add.f32 [tilespmem:s12], [sflag:$0x7], $0x80, s16, s29, $0xb8;
	[tilespmem:$0x1C000] =	vst v63  }
0x77: {  	_ =	swait.ge [sflag:s24], $0x4000  }
0x78: {  	[sflag:s24] =	ssyncset.done $0x0  }
0x79: {  	s8 =	sadd.s32 @!p2 $0x138A0, s8;
	s9 =	simm.s32 @!p2 $0x100;
	[sflag:s24] =	ssyncadd.s32 $0xFFFFC000  }
0x7a: {  	[tilespmem:s9], [sflag:$0x4] =	stream.linear.gather @!p2 [hbm4b:s8+s11], $0x100, $0x38;
	[tilespmem:$0x1C000] =	vst v63  }
0x7b: {  	_ =	swait.ge [sflag:s17], $0x100  }
0x7c: {  	[sflag:s17] =	ssyncset.done $0x0  }
0x7d: {  	[sflag:s17] =	ssyncadd.s32 $0xFFFFFF00  }
0x7e: {  	[tilespmem:s12], [sflag:$0x2] =	stream.indirect.gather [hbm4b:s1+s29], $0x80, s31, s29, $0xb8;
	[tilespmem:$0x1C000] =	vst v63  }
0x7f: {  	_ =	swait.ge [sflag:s13], $0x4000  }
0x80: {  	[sflag:s13] =	ssyncset.done $0x0  }
.Ltmp4:
0x81: {  	[sflag:s13] =	ssyncadd.s32 $0xFFFFC000;
	(pc) =	sbr.rel @p2 .LBB2_10-.Ltmp4, $4  }
0x82: {  	[spmem:s4] =	stream.indirect.scatter.add.f32 [tilespmem:s23], [sflag:$0x7], $0x80, s18, s29, $0xb8;
	[tilespmem:$0x1C000] =	vst v63  }
0x83: {  	_ =	swait.ge [sflag:s24], $0x4000  }
0x84: {  	[sflag:s24] =	ssyncset.done $0x0  }
0x85: {  	[sflag:s24] =	ssyncadd.s32 $0xFFFFC000  }
0x86: {  	s8 =	sadd.s32 s7, s2  }
0x87: {  	s9 =	sadd.s32 $0x138C0, s8  }
0x88: {  	[tilespmem:s30], [sflag:$0x5] =	stream.linear.gather [hbm4b:s9+s5], $0x100, $0x38;
	[tilespmem:$0x1C000] =	vst v63  }
0x89: {  	_ =	swait.ge [sflag:s28], $0x100  }
0x8a: {  	[sflag:s28] =	ssyncset.done $0x0  }
0x8b: {  	[sflag:s28] =	ssyncadd.s32 $0xFFFFFF00  }
0x8c: {  	[tilespmem:s23], [sflag:$0x1] =	stream.indirect.gather [hbm4b:s1+s29], $0x80, s5, s29, $0xb8;
	[tilespmem:$0x1C000] =	vst v63  }
0x8d: {  	_ =	swait.ge [sflag:s15], $0x4000  }
0x8e: {  	[sflag:s15] =	ssyncset.done $0x0  }
0x8f: {  	[sflag:s15] =	ssyncadd.s32 $0xFFFFC000  }
0x90: {  	[spmem:s4] =	stream.indirect.scatter.add.f32 [tilespmem:s12], [sflag:$0x7], $0x80, s3, s29, $0xb8;
	[tilespmem:$0x1C000] =	vst v63  }
.Ltmp5:
0x91: {  	_ = 	snop;
	(pc) =	sbr.rel .LBB2_8-.Ltmp5, $4  }
0x92: {  	_ =	swait.ge [sflag:s24], $0x4000  }
0x93: {  	[sflag:s24] =	ssyncset.done $0x0  }
0x94: {  	s7 =	sadd.s32 $0x80, s7;
	s8 =	sadd.s32 $0x138E0, s8;
	[sflag:s24] =	ssyncadd.s32 $0xFFFFC000  }
0x95: {  	[tilespmem:s31], [sflag:$0x6] =	stream.linear.gather [hbm4b:s8+s5], $0x100, $0x38;
	[tilespmem:$0x1C000] =	vst v63  }
.LBB2_4:
0x96: {  	s7 =	simm.s32 $0x0;
	s8 =	rddreg [dreg:$0x8]  }
0x97: {  	[tilespmem:s7], [sflag:$0x3] =	stream.linear.gather [hbm4b:s8+s7], $0x100, $0x38;
	[tilespmem:$0x1C000] =	vst v63  }
0x98: {  	s11 =	rddreg [dreg:$0xa]  }
0x99: {  	[tilespmem:s26], [sflag:$0x4] =	stream.linear.gather [hbm4b:s11+s7], $0x100, $0x38;
	[tilespmem:$0x1C000] =	vst v63  }
0x9a: {  	_ =	swait.ge [sflag:s28], $0x100  }
0x9b: {  	[sflag:s28] =	ssyncset.done $0x0  }
0x9c: {  	[sflag:s28] =	ssyncadd.s32 $0xFFFFFF00  }
0x9d: {  	[tilespmem:s23], [sflag:$0x1] =	stream.indirect.gather [hbm4b:s1+s29], $0x80, s7, s29, $0xb8;
	[tilespmem:$0x1C000] =	vst v63  }
0x9e: {  	s9 =	rddreg [dreg:$0xb]  }
0x9f: {  	[tilespmem:s30], [sflag:$0x5] =	stream.linear.gather [hbm4b:s9+s7], $0x100, $0x38;
	[tilespmem:$0x1C000] =	vst v63  }
0xa0: {  	s11 =	rddreg [dreg:$0xc]  }
0xa1: {  	[tilespmem:s31], [sflag:$0x6] =	stream.linear.gather [hbm4b:s11+s7], $0x100, $0x38;
	[tilespmem:$0x1C000] =	vst v63  }
.LBB2_5:
0xa2: {  	_ =	swait.ge [sflag:s0], $0x100  }
0xa3: {  	[sflag:s0] =	ssyncset.done $0x0  }
0xa4: {  	[sflag:s0] =	ssyncadd.s32 $0xFFFFFF00  }
0xa5: {  	[tilespmem:s12], [sflag:$0x2] =	stream.indirect.gather [hbm4b:s1+s29], $0x80, s26, s29, $0xb8;
	[tilespmem:$0x1C000] =	vst v63  }
0xa6: {  	_ =	swait.ge [sflag:s13], $0x4000  }
0xa7: {  	[sflag:s13] =	ssyncset.done $0x0  }
0xa8: {  	[sflag:s13] =	ssyncadd.s32 $0xFFFFC000  }
0xa9: {  	[spmem:s4] =	stream.indirect.scatter.add.f32 [tilespmem:s23], [sflag:$0x7], $0x80, s29, s29, $0xb8;
	[tilespmem:$0x1C000] =	vst v63  }
0xaa: {  	p2 =	seq.s32 s7, $0x980;
	_ =	swait.ge [sflag:s24], $0x4000  }
0xab: {  	s8 =	sadd.s32 @!p2 s7, s22;
	[sflag:s24] =	ssyncset.done $0x0  }
0xac: {  	s11 =	simm.s32 @!p2 $0x0;
	s9 =	sadd.s32 @!p2 $0x80, s8;
	[sflag:s24] =	ssyncadd.s32 $0xFFFFC000  }
0xad: {  	[tilespmem:s11], [sflag:$0x3] =	stream.linear.gather @!p2 [hbm4b:s9+s11], $0x100, $0x38;
	[tilespmem:$0x1C000] =	vst v63  }
0xae: {  	_ =	swait.ge [sflag:s14], $0x100  }
0xaf: {  	[sflag:s14] =	ssyncset.done $0x0  }
0xb0: {  	[sflag:s14] =	ssyncadd.s32 $0xFFFFFF00  }
0xb1: {  	[tilespmem:s23], [sflag:$0x1] =	stream.indirect.gather [hbm4b:s1+s29], $0x80, s30, s29, $0xb8;
	[tilespmem:$0x1C000] =	vst v63  }
0xb2: {  	_ =	swait.ge [sflag:s15], $0x4000  }
0xb3: {  	[sflag:s15] =	ssyncset.done $0x0  }
0xb4: {  	[sflag:s15] =	ssyncadd.s32 $0xFFFFC000  }
0xb5: {  	[spmem:s4] =	stream.indirect.scatter.add.f32 [tilespmem:s12], [sflag:$0x7], $0x80, s16, s29, $0xb8;
	[tilespmem:$0x1C000] =	vst v63  }
0xb6: {  	_ =	swait.ge [sflag:s24], $0x4000  }
0xb7: {  	[sflag:s24] =	ssyncset.done $0x0  }
0xb8: {  	s8 =	sadd.s32 @!p2 $0xA0, s8;
	s9 =	simm.s32 @!p2 $0x100;
	[sflag:s24] =	ssyncadd.s32 $0xFFFFC000  }
0xb9: {  	[tilespmem:s9], [sflag:$0x4] =	stream.linear.gather @!p2 [hbm4b:s8+s11], $0x100, $0x38;
	[tilespmem:$0x1C000] =	vst v63  }
0xba: {  	_ =	swait.ge [sflag:s17], $0x100  }
0xbb: {  	[sflag:s17] =	ssyncset.done $0x0  }
0xbc: {  	[sflag:s17] =	ssyncadd.s32 $0xFFFFFF00  }
0xbd: {  	[tilespmem:s12], [sflag:$0x2] =	stream.indirect.gather [hbm4b:s1+s29], $0x80, s31, s29, $0xb8;
	[tilespmem:$0x1C000] =	vst v63  }
0xbe: {  	_ =	swait.ge [sflag:s13], $0x4000  }
0xbf: {  	[sflag:s13] =	ssyncset.done $0x0  }
.Ltmp6:
0xc0: {  	[sflag:s13] =	ssyncadd.s32 $0xFFFFC000;
	(pc) =	sbr.rel @p2 .LBB2_10-.Ltmp6, $4  }
0xc1: {  	[spmem:s4] =	stream.indirect.scatter.add.f32 [tilespmem:s23], [sflag:$0x7], $0x80, s18, s29, $0xb8;
	[tilespmem:$0x1C000] =	vst v63  }
0xc2: {  	_ =	swait.ge [sflag:s24], $0x4000  }
0xc3: {  	[sflag:s24] =	ssyncset.done $0x0  }
0xc4: {  	[sflag:s24] =	ssyncadd.s32 $0xFFFFC000  }
0xc5: {  	s8 =	sadd.s32 s7, s22  }
0xc6: {  	s9 =	sadd.s32 $0xC0, s8  }
0xc7: {  	[tilespmem:s30], [sflag:$0x5] =	stream.linear.gather [hbm4b:s9+s5], $0x100, $0x38;
	[tilespmem:$0x1C000] =	vst v63  }
0xc8: {  	_ =	swait.ge [sflag:s28], $0x100  }
0xc9: {  	[sflag:s28] =	ssyncset.done $0x0  }
0xca: {  	[sflag:s28] =	ssyncadd.s32 $0xFFFFFF00  }
0xcb: {  	[tilespmem:s23], [sflag:$0x1] =	stream.indirect.gather [hbm4b:s1+s29], $0x80, s5, s29, $0xb8;
	[tilespmem:$0x1C000] =	vst v63  }
0xcc: {  	_ =	swait.ge [sflag:s15], $0x4000  }
0xcd: {  	[sflag:s15] =	ssyncset.done $0x0  }
0xce: {  	[sflag:s15] =	ssyncadd.s32 $0xFFFFC000  }
0xcf: {  	[spmem:s4] =	stream.indirect.scatter.add.f32 [tilespmem:s12], [sflag:$0x7], $0x80, s3, s29, $0xb8;
	[tilespmem:$0x1C000] =	vst v63  }
.Ltmp7:
0xd0: {  	_ = 	snop;
	(pc) =	sbr.rel .LBB2_5-.Ltmp7, $4  }
0xd1: {  	_ =	swait.ge [sflag:s24], $0x4000  }
0xd2: {  	[sflag:s24] =	ssyncset.done $0x0  }
0xd3: {  	s7 =	sadd.s32 $0x80, s7;
	s8 =	sadd.s32 $0xE0, s8;
	[sflag:s24] =	ssyncadd.s32 $0xFFFFC000  }
0xd4: {  	[tilespmem:s31], [sflag:$0x6] =	stream.linear.gather [hbm4b:s8+s5], $0x100, $0x38;
	[tilespmem:$0x1C000] =	vst v63  }
.LBB2_11:
0xd5: {  	_ =	sfence.sel $0x180000  }
0xd6: {  	[bflag:$0x0] =	sbarrier.arrive $0xFFFF  }
0xd7: {  	_ =	strace $0x90000047  }
0xd8: {  	s0 =	stileid.u32;
	[bflag:$0x2] =	sbarrier.arrive $0xFFFF  }
0xd9: {  	p0 =	sne.s32 s0, $0x0;
	s0 =	rddreg [dreg:$0x4]  }
0xda: {  	s0 =	sadd.s32 @!p0 $0x100000, s0  }
0xdb: {  	[sflag:s0] =	ssyncadd.tile.s32 @!p0 $0x1;
	_ =	shalt  }
.Lfunc_end2:
_tile_overlayer_lowered:
.L_overlay_start_2:
0xdc: {  	(tag) =	ssettag $0x2  }
0xdd: {  	s0 =	rddreg [dreg:$0x0];
	s2 =	stileid.u32  }
0xde: {  	s1 =	rddreg [dreg:$0x1];
	p0 =	sne.s32 s2, $0x0  }
0xdf: {  	s3 =	rddreg [dreg:$0x2];
	[bflag:$0x3] =	sbarrier.arrive $0xFFFF;
	s2 =	simm.s32 @!p0 $0x1C07  }
0xe0: {  	[timem:s3], [sflag:s2] =	dma.local @!p0 [hbm:s0], s1  }
0xe1: {  	s0 =	simm.s32 @!p0 $0x7  }
0xe2: {  	_ =	swait.ge @!p0 [sflag:s0], s1  }
0xe3: {  	s1 =	ssub.s32 @!p0 $0x0, s1;
	[sflag:s0] =	ssyncset.done @!p0 $0x0  }
0xe4: {  	[sflag:s0] =	ssyncadd.s32 @!p0 s1  }
0xe5: {  	[bflag:$0x3] =	sbarrier.arrive $0xFFFF  }
0xe6: {  	_ =	shalt  }

</sc_bundles>
